<compile_context>
chip_gen: v7x
topology: tpu7x:2x2x1
jax: 0.10.2.dev20260603
libtpu: 0.0.44.dev20260713+nightly
codegen_flags: <defaults>
</compile_context>

<pallas_src>
import functools

import jax
import jax.numpy as jnp
from jax import lax
from jax.experimental import pallas as pl
from jax.experimental.pallas import tpu as pltpu
from jax.experimental.pallas import tpu_sc as plsc

N = 10000
E = 160000
D_IN = 128
D_EDGE = 16
HID = 16
OUT = 32
G = 64

NPAD = 10240
ROWS_PER_TILE = NPAD // 16
CHUNK = 800
NC = 2
NS = 16
NW = NC * NS

NSLICE = 1
ES = E // NSLICE
NCHUNKS = ES // CHUNK
ITERS = (NCHUNKS + NW - 1) // NW

BE = 1600
BN = 1000


def _sc_mesh():
    return plsc.VectorSubcoreMesh(
        core_axis_name="c", subcore_axis_name="s", num_cores=NC, num_subcores=NS
    )


def _gather_body(x_hbm, src_hbm, out_hbm, idx_v, rows_v, sem):
    c = lax.axis_index("c")
    s = lax.axis_index("s")
    wid = s * NC + c

    def body(i, carry):
        chunk = jnp.minimum(wid + i * NW, NCHUNKS - 1)
        base = chunk * CHUNK
        pltpu.sync_copy(src_hbm.at[pl.ds(base, CHUNK)], idx_v)
        pltpu.async_copy(x_hbm.at[idx_v], rows_v, sem).wait()
        pltpu.sync_copy(rows_v, out_hbm.at[pl.ds(base, CHUNK)])
        return carry

    lax.fori_loop(0, ITERS, body, 0)


def _gather(x, src):
    kfn = functools.partial(
        pl.kernel,
        out_type=jax.ShapeDtypeStruct((ES, D_IN), jnp.bfloat16),
        mesh=_sc_mesh(),
        scratch_types=[
            pltpu.VMEM((CHUNK,), jnp.int32),
            pltpu.VMEM((CHUNK, D_IN), jnp.bfloat16),
            pltpu.SemaphoreType.DMA,
        ],
        compiler_params=pltpu.CompilerParams(use_tc_tiling_on_sc=False),
    )
    return kfn(_gather_body)(x, src)


def _scatter_body(dst_hbm, msg_hbm, zeros_hbm, out_hbm, idx_v, msg_v, acc, sem):
    c = lax.axis_index("c")
    s = lax.axis_index("s")
    wid = s * NC + c

    pltpu.sync_copy(zeros_hbm, acc.at[pl.ds(s * ROWS_PER_TILE, ROWS_PER_TILE)])
    plsc.subcore_barrier()

    def body(i, carry):
        chunk = wid + i * NW

        @pl.when(chunk < NCHUNKS)
        def _():
            base = chunk * CHUNK
            pltpu.sync_copy(dst_hbm.at[pl.ds(base, CHUNK)], idx_v.at[0])
            pltpu.sync_copy(msg_hbm.at[pl.ds(base, CHUNK)], msg_v)
            pltpu.sync_copy(msg_v, acc.at[idx_v.at[0]], add=True)

        return carry

    lax.fori_loop(0, ITERS, body, 0)
    plsc.subcore_barrier()
    pltpu.sync_copy(
        acc.at[pl.ds(s * ROWS_PER_TILE, ROWS_PER_TILE)],
        out_hbm.at[c, pl.ds(s * ROWS_PER_TILE, ROWS_PER_TILE)],
    )


def _scatter(dst, msg2):
    zeros = jnp.zeros((ROWS_PER_TILE, 2 * HID), jnp.float32)
    kfn = functools.partial(
        pl.kernel,
        out_type=jax.ShapeDtypeStruct((NC, NPAD, 2 * HID), jnp.float32),
        mesh=_sc_mesh(),
        scratch_types=[
            pltpu.VMEM((1, CHUNK), jnp.int32),
            pltpu.VMEM((CHUNK, 2 * HID), jnp.float32),
            pltpu.VMEM_SHARED((NPAD, 2 * HID), jnp.float32),
            pltpu.SemaphoreType.DMA,
        ],
        compiler_params=pltpu.CompilerParams(use_tc_tiling_on_sc=False),
    )
    return kfn(_scatter_body)(dst, msg2, zeros)


def _edge_kernel(ea_ref, xs_ref, fc1t_ref, fc1b_ref, fc2p_ref, bmat_ref,
                 sel_ref, out_ref):
    ea = ea_ref[...]
    h = jnp.maximum(
        jnp.dot(ea, fc1t_ref[...], preferred_element_type=jnp.float32)
        + fc1b_ref[...],
        0.0,
    )
    w2 = jnp.dot(
        h.astype(jnp.bfloat16), fc2p_ref[...], preferred_element_type=jnp.float32
    ).astype(jnp.bfloat16)
    xs = xs_ref[...]
    xst = jnp.concatenate([xs] * HID, axis=1)
    msg = jnp.dot(w2 * xst, sel_ref[...], preferred_element_type=jnp.float32)
    msg = msg + jnp.dot(xs, bmat_ref[...], preferred_element_type=jnp.float32)
    ones = jnp.ones((BE, 1), jnp.float32)
    pad = jnp.zeros((BE, HID - 1), jnp.float32)
    out_ref[...] = jnp.concatenate([msg, ones, pad], axis=1)


def _edge_stage(ea, x_src, fc1t, fc1b, fc2p, bmat, sel):
    grid = (ES // BE,)
    return pl.pallas_call(
        _edge_kernel,
        grid=grid,
        in_specs=[
            pl.BlockSpec((BE, D_EDGE), lambda i: (i, 0)),
            pl.BlockSpec((BE, D_IN), lambda i: (i, 0)),
            pl.BlockSpec((D_EDGE, 128), lambda i: (0, 0)),
            pl.BlockSpec((1, 128), lambda i: (0, 0)),
            pl.BlockSpec((128, HID * D_IN), lambda i: (0, 0)),
            pl.BlockSpec((D_IN, HID), lambda i: (0, 0)),
            pl.BlockSpec((HID * D_IN, HID), lambda i: (0, 0)),
        ],
        out_specs=pl.BlockSpec((BE, 2 * HID), lambda i: (i, 0)),
        out_shape=jax.ShapeDtypeStruct((ES, 2 * HID), jnp.float32),
    )(ea, x_src, fc1t, fc1b, fc2p, bmat, sel)


def _final_kernel(
    p_ref, x_ref, batch_ref, root_ref, convb_ref, prew_ref, preb_ref,
    outw_ref, outb_ref, out_ref, gs_acc, gc_acc,
):
    i = pl.program_id(0)
    p = p_ref[...]
    srows = p.sum(axis=0)
    summed = srows[:, :HID]
    cnt = srows[:, HID:HID + 1]
    aggr = summed / jnp.maximum(cnt, 1.0)
    xr = jnp.dot(x_ref[...], root_ref[...], preferred_element_type=jnp.float32)
    xh = jnp.maximum(aggr + xr + convb_ref[...], 0.0)
    xp = jnp.maximum(
        jnp.dot(xh, prew_ref[...], preferred_element_type=jnp.float32)
        + preb_ref[...],
        0.0,
    )
    b2 = batch_ref[...].reshape(1, BN)
    gid = lax.broadcasted_iota(jnp.int32, (G, 1), 0)
    mask = (b2 == gid).astype(jnp.float32)
    gs = jnp.dot(mask, xp, preferred_element_type=jnp.float32)
    gc = jnp.sum(mask, axis=1, keepdims=True)

    @pl.when(i == 0)
    def _():
        gs_acc[...] = jnp.zeros_like(gs_acc)
        gc_acc[...] = jnp.zeros_like(gc_acc)

    gs_acc[...] += gs
    gc_acc[...] += gc

    @pl.when(i == pl.num_programs(0) - 1)
    def _():
        pooled = gs_acc[...] / jnp.maximum(gc_acc[...], 1.0)
        out_ref[...] = jnp.maximum(
            jnp.dot(pooled, outw_ref[...], preferred_element_type=jnp.float32)
            + outb_ref[...],
            0.0,
        )


def _final_stage(p, x, batch3, root, convb, prew, preb, outw, outb):
    grid = (N // BN,)
    return pl.pallas_call(
        _final_kernel,
        grid=grid,
        in_specs=[
            pl.BlockSpec((NSLICE * NC, BN, 2 * HID), lambda i: (0, i, 0)),
            pl.BlockSpec((BN, D_IN), lambda i: (i, 0)),
            pl.BlockSpec((1, 1, BN), lambda i: (i, 0, 0)),
            pl.BlockSpec((D_IN, HID), lambda i: (0, 0)),
            pl.BlockSpec((1, HID), lambda i: (0, 0)),
            pl.BlockSpec((HID, HID), lambda i: (0, 0)),
            pl.BlockSpec((1, HID), lambda i: (0, 0)),
            pl.BlockSpec((HID, OUT), lambda i: (0, 0)),
            pl.BlockSpec((1, OUT), lambda i: (0, 0)),
        ],
        out_specs=pl.BlockSpec((G, OUT), lambda i: (0, 0)),
        out_shape=jax.ShapeDtypeStruct((G, OUT), jnp.float32),
        scratch_shapes=[
            pltpu.VMEM((G, HID), jnp.float32),
            pltpu.VMEM((G, 1), jnp.float32),
        ],
    )(p, x, batch3, root, convb, prew, preb, outw, outb)


def kernel(x, edge_index, edge_attr, batch, fc1_w, fc1_b, fc2_w, fc2_b,
           root, conv_b, pre_w, pre_b, out_w, out_b):
    src = edge_index[0].astype(jnp.int32)
    dst = edge_index[1].astype(jnp.int32)
    batch3 = batch.astype(jnp.int32).reshape(N // BN, 1, BN)

    fc1t = fc1_w.T
    fc1b = fc1_b.reshape(1, 128)
    fc2p = (
        fc2_w.T.reshape(128, D_IN, HID)
        .transpose(0, 2, 1)
        .reshape(128, HID * D_IN)
        .astype(jnp.bfloat16)
    )
    bmat = fc2_b.reshape(D_IN, HID)
    sel = jnp.repeat(jnp.eye(HID, dtype=jnp.bfloat16), D_IN, axis=0)

    xbf = x.astype(jnp.bfloat16)
    parts = []
    for si in range(NSLICE):
        sl = slice(si * ES, (si + 1) * ES)
        x_src = _gather(xbf, src[sl])
        msg2 = _edge_stage(edge_attr[sl], x_src, fc1t, fc1b, fc2p, bmat, sel)
        parts.append(_scatter(dst[sl], msg2))
    p = parts[0] if NSLICE == 1 else jnp.concatenate(parts, axis=0)
    return _final_stage(
        p, x, batch3, root, conv_b.reshape(1, HID), pre_w.T,
        pre_b.reshape(1, HID), out_w.T, out_b.reshape(1, OUT),
    )

# --- scband reference (transcript-rebuilt; emitter-appended) ---
"""Pipeline reference for scband-tcrgtransform-44470091383135 (READ-ONLY COPY).

The authoritative reference and input builder live on the scoring server;
editing this copy changes nothing except your own understanding.
"""

import jax, jax.numpy as jnp
import numpy as np

N = 10000
E = 160000
D_IN = 128
D_EDGE = 16
HID = 16
OUT = 32
G = 64


def setup_inputs(seed: int = 0) -> dict:
    key = jax.random.key(seed)
    ks = jax.random.split(key, 12)
    x = jax.random.normal(ks[0], (N, D_IN), dtype=jnp.float32)
    edge_index = jax.random.randint(ks[1], (2, E), 0, N, dtype=jnp.int64)
    edge_attr = jax.random.normal(ks[2], (E, D_EDGE), dtype=jnp.float32)
    batch = jnp.sort(jax.random.randint(ks[3], (N,), 0, G, dtype=jnp.int64))
    # Learned parameters
    fc1_w = jax.random.normal(ks[4], (128, D_EDGE), dtype=jnp.float32) * (1.0 / np.sqrt(D_EDGE))
    fc1_b = jnp.zeros((128,), dtype=jnp.float32)
    fc2_w = jax.random.normal(ks[5], (D_IN * HID, 128), dtype=jnp.float32) * (0.05 / np.sqrt(128))
    fc2_b = jnp.zeros((D_IN * HID,), dtype=jnp.float32)
    root = jax.random.normal(ks[6], (D_IN, HID), dtype=jnp.float32) * (1.0 / np.sqrt(D_IN))
    conv_b = jnp.zeros((HID,), dtype=jnp.float32)
    pre_w = jax.random.normal(ks[7], (HID, HID), dtype=jnp.float32) * (1.0 / np.sqrt(HID))
    pre_b = jnp.zeros((HID,), dtype=jnp.float32)
    out_w = jax.random.normal(ks[8], (OUT, HID), dtype=jnp.float32) * (1.0 / np.sqrt(HID))
    out_b = jnp.zeros((OUT,), dtype=jnp.float32)
    return {
        'x': x, 'edge_index': edge_index, 'edge_attr': edge_attr, 'batch': batch,
        'fc1_w': fc1_w, 'fc1_b': fc1_b, 'fc2_w': fc2_w, 'fc2_b': fc2_b,
        'root': root, 'conv_b': conv_b, 'pre_w': pre_w, 'pre_b': pre_b,
        'out_w': out_w, 'out_b': out_b,
    }


def reference(x, edge_index, edge_attr, batch, fc1_w, fc1_b, fc2_w, fc2_b,
              root, conv_b, pre_w, pre_b, out_w, out_b):
    src = edge_index[0]
    dst = edge_index[1]
    # EdgeTransform: edge_attr -> per-edge [D_IN, HID] weight matrix
    h = jax.nn.relu(edge_attr @ fc1_w.T + fc1_b)
    W = (h @ fc2_w.T + fc2_b).reshape(E, D_IN, HID)
    # NNConv message: x_j @ W_e, aggr='mean' over destination nodes
    x_src = jnp.take(x, src, axis=0)
    msg = jnp.einsum('ei,eio->eo', x_src, W)
    summed = jax.ops.segment_sum(msg, dst, num_segments=N)
    cnt = jax.ops.segment_sum(jnp.ones((E,), dtype=jnp.float32), dst, num_segments=N)
    aggr = summed / jnp.clip(cnt, 1.0)[:, None]
    # root weight + bias, then relu (as in forward)
    xh = jax.nn.relu(aggr + x @ root + conv_b)
    # pre_pool linear + relu
    xp = jax.nn.relu(xh @ pre_w.T + pre_b)
    # global_mean_pool over batch ids
    gs = jax.ops.segment_sum(xp, batch, num_segments=G)
    gc = jax.ops.segment_sum(jnp.ones((N,), dtype=jnp.float32), batch, num_segments=G)
    pooled = gs / jnp.clip(gc, 1.0)[:, None]
    # final fc1 + relu
    return jax.nn.relu(pooled @ out_w.T + out_b)

if __name__ == "__main__":
    import jax
    _d = setup_inputs()
    print(jax.jit(kernel)(*tuple(_d.values())))

</pallas_src>

<mosaic_0001>
#map = affine_map<(d0, d1) -> (0, 0)>
#map1 = affine_map<(d0, d1) -> (0)>
module attributes {stable_mosaic.version = 14 : i64} {
  func.func @_gather_body(%arg0: i32, %arg1: i32, %arg2: memref<10000x128xbf16, #tpu.memory_space<hbm>>, %arg3: memref<160000xi32, #tpu.memory_space<hbm>>, %arg4: memref<160000x128xbf16, #tpu.memory_space<hbm>>, %arg5: memref<800xi32, #tpu.memory_space<vmem>>, %arg6: memref<800x128xbf16, #tpu.memory_space<vmem>>, %arg7: memref<!tpu.dma_semaphore, #tpu.memory_space<semaphore_mem>>) attributes {dimension_semantics = [#tpu.dimension_semantics<core_parallel>, #tpu.dimension_semantics<subcore_parallel>], iteration_bounds = array<i64: 2, 16>, scalar_prefetch = 0 : i64, scratch_operands = 3 : i64, tpu.core_type = #tpu.core_type<sc_vector_subcore>, window_params = [{transform_indices = #map}, {transform_indices = #map1}, {transform_indices = #map}]} {
    %mul3A = arith.constant 2 : i32
    %mul3A_0 = arith.muli %arg1, %mul3A : i32
    %add3A = arith.addi %mul3A_0, %arg0 : i32
    %scan3A = arith.constant 0 : i32
    %scan3A_1 = arith.constant 0 : i32
    %scan3A_2 = arith.constant 7 : i32
    %scan3A_3 = arith.addi %scan3A_1, %scan3A_2 : i32
    %scan3A_4 = arith.constant 1 : i32
    scf.for %scan3A_6 = %scan3A_1 to %scan3A_3 step %scan3A_4  : i32 {
      %mul3A_7 = arith.constant 32 : i32
      %mul3A_8 = arith.muli %scan3A_6, %mul3A_7 : i32
      %add3A_9 = arith.addi %add3A, %mul3A_8 : i32
      %min3A = arith.constant 199 : i32
      %min3A_10 = arith.minsi %add3A_9, %min3A : i32
      %mul3A_11 = arith.constant 800 : i32
      %mul3A_12 = arith.muli %min3A_10, %mul3A_11 : i32
      "tpu.region"() ({
        %run_scoped3A = tpu.sem_alloc : memref<!tpu.dma_semaphore, #tpu.memory_space<semaphore_mem>>
        %dma_start3A_17 = tpu.memref_slice %arg3[%mul3A_12] : memref<160000xi32, #tpu.memory_space<hbm>> -> memref<800xi32, #tpu.memory_space<hbm>>
        %dma_start3A_18 = tpu.memref_slice %arg3[%mul3A_12] : memref<160000xi32, #tpu.memory_space<hbm>> -> memref<800xi32, #tpu.memory_space<hbm>>
        tpu.enqueue_dma source(%dma_start3A_18 : memref<800xi32, #tpu.memory_space<hbm>>) target(%arg5 : memref<800xi32, #tpu.memory_space<vmem>>) target_semaphore(%run_scoped3A : memref<!tpu.dma_semaphore, #tpu.memory_space<semaphore_mem>>)
        %dma_wait3A_19 = tpu.memref_slice %arg3[%mul3A_12] : memref<160000xi32, #tpu.memory_space<hbm>> -> memref<800xi32, #tpu.memory_space<hbm>>
        %dma_wait3A_20 = tpu.memref_slice %arg3[%mul3A_12] : memref<160000xi32, #tpu.memory_space<hbm>> -> memref<800xi32, #tpu.memory_space<hbm>>
        tpu.wait_dma2 semaphore(%run_scoped3A : memref<!tpu.dma_semaphore, #tpu.memory_space<semaphore_mem>>) src(%dma_wait3A_20 : memref<800xi32, #tpu.memory_space<hbm>>) dst(%arg5 : memref<800xi32, #tpu.memory_space<vmem>>)
        tpu.yield
      }) : () -> ()
      %dma_start3A = arith.constant 0 : i32
      %dma_start3A_13 = arith.constant 0 : i32
      %dma_start3A_14 = tpu.memref_slice %arg2[%dma_start3A, %dma_start3A_13] : memref<10000x128xbf16, #tpu.memory_space<hbm>> -> memref<10000x128xbf16, #tpu.memory_space<hbm>>
      tpu.enqueue_indirect_dma source(%dma_start3A_14 : memref<10000x128xbf16, #tpu.memory_space<hbm>>) target(%arg6 : memref<800x128xbf16, #tpu.memory_space<vmem>>) offsets(%arg5 : memref<800xi32, #tpu.memory_space<vmem>>) semaphore(%arg7 : memref<!tpu.dma_semaphore, #tpu.memory_space<semaphore_mem>>)
      %dma_wait3A = arith.constant 0 : i32
      %dma_wait3A_15 = arith.constant 0 : i32
      %dma_wait3A_16 = tpu.memref_slice %arg2[%dma_wait3A, %dma_wait3A_15] : memref<10000x128xbf16, #tpu.memory_space<hbm>> -> memref<10000x128xbf16, #tpu.memory_space<hbm>>
      tpu.wait_indirect_dma semaphore(%arg7 : memref<!tpu.dma_semaphore, #tpu.memory_space<semaphore_mem>>) src(%dma_wait3A_16 : memref<10000x128xbf16, #tpu.memory_space<hbm>>) dst(%arg6 : memref<800x128xbf16, #tpu.memory_space<vmem>>)
      "tpu.region"() ({
        %run_scoped3A = tpu.sem_alloc : memref<!tpu.dma_semaphore, #tpu.memory_space<semaphore_mem>>
        %dma_start3A_17 = arith.constant 0 : i32
        %dma_start3A_18 = tpu.memref_slice %arg4[%mul3A_12, %dma_start3A_17] : memref<160000x128xbf16, #tpu.memory_space<hbm>> -> memref<800x128xbf16, #tpu.memory_space<hbm>>
        %dma_start3A_19 = arith.constant 0 : i32
        %dma_start3A_20 = tpu.memref_slice %arg4[%mul3A_12, %dma_start3A_19] : memref<160000x128xbf16, #tpu.memory_space<hbm>> -> memref<800x128xbf16, #tpu.memory_space<hbm>>
        tpu.enqueue_dma source(%arg6 : memref<800x128xbf16, #tpu.memory_space<vmem>>) target(%dma_start3A_20 : memref<800x128xbf16, #tpu.memory_space<hbm>>) target_semaphore(%run_scoped3A : memref<!tpu.dma_semaphore, #tpu.memory_space<semaphore_mem>>)
        %dma_wait3A_21 = arith.constant 0 : i32
        %dma_wait3A_22 = tpu.memref_slice %arg4[%mul3A_12, %dma_wait3A_21] : memref<160000x128xbf16, #tpu.memory_space<hbm>> -> memref<800x128xbf16, #tpu.memory_space<hbm>>
        %dma_wait3A_23 = arith.constant 0 : i32
        %dma_wait3A_24 = tpu.memref_slice %arg4[%mul3A_12, %dma_wait3A_23] : memref<160000x128xbf16, #tpu.memory_space<hbm>> -> memref<800x128xbf16, #tpu.memory_space<hbm>>
        tpu.wait_dma2 semaphore(%run_scoped3A : memref<!tpu.dma_semaphore, #tpu.memory_space<semaphore_mem>>) src(%arg6 : memref<800x128xbf16, #tpu.memory_space<vmem>>) dst(%dma_wait3A_24 : memref<800x128xbf16, #tpu.memory_space<hbm>>)
        tpu.yield
      }) : () -> ()
    }
    %scan3A_5 = arith.constant 7 : i32
    return
  }
}

#map = affine_map<(d0, d1) -> (0)>
#map1 = affine_map<(d0, d1) -> (0, 0)>
#map2 = affine_map<(d0, d1) -> (0, 0, 0)>
module attributes {stable_mosaic.version = 14 : i64} {
  func.func @_scatter_body(%arg0: i32, %arg1: i32, %arg2: memref<160000xi32, #tpu.memory_space<hbm>>, %arg3: memref<160000x32xf32, #tpu.memory_space<hbm>>, %arg4: memref<640x32xf32, #tpu.memory_space<hbm>>, %arg5: memref<2x10240x32xf32, #tpu.memory_space<hbm>>, %arg6: memref<1x800xi32, #tpu.memory_space<vmem>>, %arg7: memref<800x32xf32, #tpu.memory_space<vmem>>, %arg8: memref<10240x32xf32, #tpu.memory_space<vmem_shared>>, %arg9: memref<!tpu.dma_semaphore, #tpu.memory_space<semaphore_mem>>) attributes {dimension_semantics = [#tpu.dimension_semantics<core_parallel>, #tpu.dimension_semantics<subcore_parallel>], iteration_bounds = array<i64: 2, 16>, scalar_prefetch = 0 : i64, scratch_operands = 4 : i64, tpu.core_type = #tpu.core_type<sc_vector_subcore>, window_params = [{transform_indices = #map}, {transform_indices = #map1}, {transform_indices = #map1}, {transform_indices = #map2}]} {
    %mul3A = arith.constant 2 : i32
    %mul3A_0 = arith.muli %arg1, %mul3A : i32
    %add3A = arith.addi %mul3A_0, %arg0 : i32
    %mul3A_1 = arith.constant 640 : i32
    %mul3A_2 = arith.muli %arg1, %mul3A_1 : i32
    "tpu.region"() ({
      %run_scoped3A = tpu.sem_alloc : memref<!tpu.dma_semaphore, #tpu.memory_space<semaphore_mem>>
      %dma_start3A = arith.constant 0 : i32
      %dma_start3A_13 = tpu.memref_slice %arg8[%mul3A_2, %dma_start3A] : memref<10240x32xf32, #tpu.memory_space<vmem_shared>> -> memref<640x32xf32, #tpu.memory_space<vmem_shared>>
      tpu.enqueue_dma source(%arg4 : memref<640x32xf32, #tpu.memory_space<hbm>>) target(%dma_start3A_13 : memref<640x32xf32, #tpu.memory_space<vmem_shared>>) target_semaphore(%run_scoped3A : memref<!tpu.dma_semaphore, #tpu.memory_space<semaphore_mem>>)
      %dma_wait3A = arith.constant 0 : i32
      %dma_wait3A_14 = tpu.memref_slice %arg8[%mul3A_2, %dma_wait3A] : memref<10240x32xf32, #tpu.memory_space<vmem_shared>> -> memref<640x32xf32, #tpu.memory_space<vmem_shared>>
      tpu.wait_dma2 semaphore(%run_scoped3A : memref<!tpu.dma_semaphore, #tpu.memory_space<semaphore_mem>>) src(%arg4 : memref<640x32xf32, #tpu.memory_space<hbm>>) dst(%dma_wait3A_14 : memref<640x32xf32, #tpu.memory_space<vmem_shared>>)
      tpu.yield
    }) : () -> ()
    %barrier3A = arith.constant 0 : index
    tpu.barrier barrier_id(%barrier3A)
    %scan3A = arith.constant 0 : i32
    %scan3A_3 = arith.constant 0 : i32
    %scan3A_4 = arith.constant 7 : i32
    %scan3A_5 = arith.addi %scan3A_3, %scan3A_4 : i32
    %scan3A_6 = arith.constant 1 : i32
    scf.for %scan3A_13 = %scan3A_3 to %scan3A_5 step %scan3A_6  : i32 {
      %mul3A_14 = arith.constant 32 : i32
      %mul3A_15 = arith.muli %scan3A_13, %mul3A_14 : i32
      %add3A_16 = arith.addi %add3A, %mul3A_15 : i32
      %lt3A = arith.constant 200 : i32
      %lt3A_17 = arith.cmpi slt, %add3A_16, %lt3A : i32
      %convert_element_type3A = arith.extui %lt3A_17 : i1 to i32
      %cond3A = arith.constant 0 : i32
      %cond3A_18 = arith.cmpi ne, %convert_element_type3A, %cond3A : i32
      scf.if %cond3A_18 {
        %mul3A_19 = arith.constant 800 : i32
        %mul3A_20 = arith.muli %add3A_16, %mul3A_19 : i32
        %run_scoped3A = arith.constant 0 : i32
        "tpu.region"() ({
          %run_scoped3A_22 = tpu.sem_alloc : memref<!tpu.dma_semaphore, #tpu.memory_space<semaphore_mem>>
          %dma_start3A = arith.constant 0 : i32
          %dma_start3A_23 = tpu.memref_slice %arg6[%run_scoped3A, %dma_start3A] : memref<1x800xi32, #tpu.memory_space<vmem>> -> memref<1x800xi32, #tpu.memory_space<vmem>>
          %dma_start3A_24 = tpu.memref_squeeze %dma_start3A_23 : memref<1x800xi32, #tpu.memory_space<vmem>> -> memref<800xi32, #tpu.memory_space<vmem>>
          %dma_start3A_25 = tpu.memref_slice %arg2[%mul3A_20] : memref<160000xi32, #tpu.memory_space<hbm>> -> memref<800xi32, #tpu.memory_space<hbm>>
          %dma_start3A_26 = arith.constant 0 : i32
          %dma_start3A_27 = tpu.memref_slice %arg6[%run_scoped3A, %dma_start3A_26] : memref<1x800xi32, #tpu.memory_space<vmem>> -> memref<1x800xi32, #tpu.memory_space<vmem>>
          %dma_start3A_28 = tpu.memref_squeeze %dma_start3A_27 : memref<1x800xi32, #tpu.memory_space<vmem>> -> memref<800xi32, #tpu.memory_space<vmem>>
          %dma_start3A_29 = tpu.memref_slice %arg2[%mul3A_20] : memref<160000xi32, #tpu.memory_space<hbm>> -> memref<800xi32, #tpu.memory_space<hbm>>
          tpu.enqueue_dma source(%dma_start3A_29 : memref<800xi32, #tpu.memory_space<hbm>>) target(%dma_start3A_28 : memref<800xi32, #tpu.memory_space<vmem>>) target_semaphore(%run_scoped3A_22 : memref<!tpu.dma_semaphore, #tpu.memory_space<semaphore_mem>>)
          %dma_wait3A = arith.constant 0 : i32
          %dma_wait3A_30 = tpu.memref_slice %arg6[%run_scoped3A, %dma_wait3A] : memref<1x800xi32, #tpu.memory_space<vmem>> -> memref<1x800xi32, #tpu.memory_space<vmem>>
          %dma_wait3A_31 = tpu.memref_squeeze %dma_wait3A_30 : memref<1x800xi32, #tpu.memory_space<vmem>> -> memref<800xi32, #tpu.memory_space<vmem>>
          %dma_wait3A_32 = tpu.memref_slice %arg2[%mul3A_20] : memref<160000xi32, #tpu.memory_space<hbm>> -> memref<800xi32, #tpu.memory_space<hbm>>
          %dma_wait3A_33 = arith.constant 0 : i32
          %dma_wait3A_34 = tpu.memref_slice %arg6[%run_scoped3A, %dma_wait3A_33] : memref<1x800xi32, #tpu.memory_space<vmem>> -> memref<1x800xi32, #tpu.memory_space<vmem>>
          %dma_wait3A_35 = tpu.memref_squeeze %dma_wait3A_34 : memref<1x800xi32, #tpu.memory_space<vmem>> -> memref<800xi32, #tpu.memory_space<vmem>>
          %dma_wait3A_36 = tpu.memref_slice %arg2[%mul3A_20] : memref<160000xi32, #tpu.memory_space<hbm>> -> memref<800xi32, #tpu.memory_space<hbm>>
          tpu.wait_dma2 semaphore(%run_scoped3A_22 : memref<!tpu.dma_semaphore, #tpu.memory_space<semaphore_mem>>) src(%dma_wait3A_36 : memref<800xi32, #tpu.memory_space<hbm>>) dst(%dma_wait3A_35 : memref<800xi32, #tpu.memory_space<vmem>>)
          tpu.yield
        }) : () -> ()
        "tpu.region"() ({
          %run_scoped3A_22 = tpu.sem_alloc : memref<!tpu.dma_semaphore, #tpu.memory_space<semaphore_mem>>
          %dma_start3A = arith.constant 0 : i32
          %dma_start3A_23 = tpu.memref_slice %arg3[%mul3A_20, %dma_start3A] : memref<160000x32xf32, #tpu.memory_space<hbm>> -> memref<800x32xf32, #tpu.memory_space<hbm>>
          %dma_start3A_24 = arith.constant 0 : i32
          %dma_start3A_25 = tpu.memref_slice %arg3[%mul3A_20, %dma_start3A_24] : memref<160000x32xf32, #tpu.memory_space<hbm>> -> memref<800x32xf32, #tpu.memory_space<hbm>>
          tpu.enqueue_dma source(%dma_start3A_25 : memref<800x32xf32, #tpu.memory_space<hbm>>) target(%arg7 : memref<800x32xf32, #tpu.memory_space<vmem>>) target_semaphore(%run_scoped3A_22 : memref<!tpu.dma_semaphore, #tpu.memory_space<semaphore_mem>>)
          %dma_wait3A = arith.constant 0 : i32
          %dma_wait3A_26 = tpu.memref_slice %arg3[%mul3A_20, %dma_wait3A] : memref<160000x32xf32, #tpu.memory_space<hbm>> -> memref<800x32xf32, #tpu.memory_space<hbm>>
          %dma_wait3A_27 = arith.constant 0 : i32
          %dma_wait3A_28 = tpu.memref_slice %arg3[%mul3A_20, %dma_wait3A_27] : memref<160000x32xf32, #tpu.memory_space<hbm>> -> memref<800x32xf32, #tpu.memory_space<hbm>>
          tpu.wait_dma2 semaphore(%run_scoped3A_22 : memref<!tpu.dma_semaphore, #tpu.memory_space<semaphore_mem>>) src(%dma_wait3A_28 : memref<800x32xf32, #tpu.memory_space<hbm>>) dst(%arg7 : memref<800x32xf32, #tpu.memory_space<vmem>>)
          tpu.yield
        }) : () -> ()
        %run_scoped3A_21 = arith.constant 0 : i32
        "tpu.region"() ({
          %run_scoped3A_22 = tpu.sem_alloc : memref<!tpu.dma_semaphore, #tpu.memory_space<semaphore_mem>>
          %dma_start3A = arith.constant 0 : i32
          %dma_start3A_23 = tpu.memref_slice %arg6[%run_scoped3A_21, %dma_start3A] : memref<1x800xi32, #tpu.memory_space<vmem>> -> memref<1x800xi32, #tpu.memory_space<vmem>>
          %dma_start3A_24 = tpu.memref_squeeze %dma_start3A_23 : memref<1x800xi32, #tpu.memory_space<vmem>> -> memref<800xi32, #tpu.memory_space<vmem>>
          %dma_start3A_25 = arith.constant 0 : i32
          %dma_start3A_26 = arith.constant 0 : i32
          %dma_start3A_27 = tpu.memref_slice %arg8[%dma_start3A_25, %dma_start3A_26] : memref<10240x32xf32, #tpu.memory_space<vmem_shared>> -> memref<10240x32xf32, #tpu.memory_space<vmem_shared>>
          tpu.enqueue_indirect_dma source(%arg7 : memref<800x32xf32, #tpu.memory_space<vmem>>) target(%dma_start3A_27 : memref<10240x32xf32, #tpu.memory_space<vmem_shared>>) offsets(%dma_start3A_24 : memref<800xi32, #tpu.memory_space<vmem>>) semaphore(%run_scoped3A_22 : memref<!tpu.dma_semaphore, #tpu.memory_space<semaphore_mem>>) {add = true}
          %dma_wait3A = arith.constant 0 : i32
          %dma_wait3A_28 = tpu.memref_slice %arg6[%run_scoped3A_21, %dma_wait3A] : memref<1x800xi32, #tpu.memory_space<vmem>> -> memref<1x800xi32, #tpu.memory_space<vmem>>
          %dma_wait3A_29 = tpu.memref_squeeze %dma_wait3A_28 : memref<1x800xi32, #tpu.memory_space<vmem>> -> memref<800xi32, #tpu.memory_space<vmem>>
          %dma_wait3A_30 = arith.constant 0 : i32
          %dma_wait3A_31 = arith.constant 0 : i32
          %dma_wait3A_32 = tpu.memref_slice %arg8[%dma_wait3A_30, %dma_wait3A_31] : memref<10240x32xf32, #tpu.memory_space<vmem_shared>> -> memref<10240x32xf32, #tpu.memory_space<vmem_shared>>
          tpu.wait_indirect_dma semaphore(%run_scoped3A_22 : memref<!tpu.dma_semaphore, #tpu.memory_space<semaphore_mem>>) src(%arg7 : memref<800x32xf32, #tpu.memory_space<vmem>>) dst(%dma_wait3A_32 : memref<10240x32xf32, #tpu.memory_space<vmem_shared>>)
          tpu.yield
        }) : () -> ()
      } else {
      }
    }
    %scan3A_7 = arith.constant 7 : i32
    %barrier3A_8 = arith.constant 0 : index
    tpu.barrier barrier_id(%barrier3A_8)
    %mul3A_9 = arith.constant 640 : i32
    %mul3A_10 = arith.muli %arg1, %mul3A_9 : i32
    %mul3A_11 = arith.constant 640 : i32
    %mul3A_12 = arith.muli %arg1, %mul3A_11 : i32
    "tpu.region"() ({
      %run_scoped3A = tpu.sem_alloc : memref<!tpu.dma_semaphore, #tpu.memory_space<semaphore_mem>>
      %dma_start3A = arith.constant 0 : i32
      %dma_start3A_13 = tpu.memref_slice %arg5[%arg0, %mul3A_12, %dma_start3A] : memref<2x10240x32xf32, #tpu.memory_space<hbm>> -> memref<1x640x32xf32, #tpu.memory_space<hbm>>
      %dma_start3A_14 = tpu.memref_squeeze %dma_start3A_13 : memref<1x640x32xf32, #tpu.memory_space<hbm>> -> memref<640x32xf32, #tpu.memory_space<hbm>>
      %dma_start3A_15 = arith.constant 0 : i32
      %dma_start3A_16 = tpu.memref_slice %arg8[%mul3A_10, %dma_start3A_15] : memref<10240x32xf32, #tpu.memory_space<vmem_shared>> -> memref<640x32xf32, #tpu.memory_space<vmem_shared>>
      tpu.enqueue_dma source(%dma_start3A_16 : memref<640x32xf32, #tpu.memory_space<vmem_shared>>) target(%dma_start3A_14 : memref<640x32xf32, #tpu.memory_space<hbm>>) target_semaphore(%run_scoped3A : memref<!tpu.dma_semaphore, #tpu.memory_space<semaphore_mem>>)
      %dma_wait3A = arith.constant 0 : i32
      %dma_wait3A_17 = tpu.memref_slice %arg5[%arg0, %mul3A_12, %dma_wait3A] : memref<2x10240x32xf32, #tpu.memory_space<hbm>> -> memref<1x640x32xf32, #tpu.memory_space<hbm>>
      %dma_wait3A_18 = tpu.memref_squeeze %dma_wait3A_17 : memref<1x640x32xf32, #tpu.memory_space<hbm>> -> memref<640x32xf32, #tpu.memory_space<hbm>>
      %dma_wait3A_19 = arith.constant 0 : i32
      %dma_wait3A_20 = tpu.memref_slice %arg8[%mul3A_10, %dma_wait3A_19] : memref<10240x32xf32, #tpu.memory_space<vmem_shared>> -> memref<640x32xf32, #tpu.memory_space<vmem_shared>>
      tpu.wait_dma2 semaphore(%run_scoped3A : memref<!tpu.dma_semaphore, #tpu.memory_space<semaphore_mem>>) src(%dma_wait3A_20 : memref<640x32xf32, #tpu.memory_space<vmem_shared>>) dst(%dma_wait3A_18 : memref<640x32xf32, #tpu.memory_space<hbm>>)
      tpu.yield
    }) : () -> ()
    return
  }
}

module attributes {stable_mosaic.version = 14 : i64} {
  func.func @_edge_kernel(%arg0: i32, %arg1: memref<1600x16xf32, #tpu.memory_space<vmem>>, %arg2: memref<1600x128xbf16, #tpu.memory_space<vmem>>, %arg3: memref<16x128xf32, #tpu.memory_space<vmem>>, %arg4: memref<1x128xf32, #tpu.memory_space<vmem>>, %arg5: memref<128x2048xbf16, #tpu.memory_space<vmem>>, %arg6: memref<128x16xf32, #tpu.memory_space<vmem>>, %arg7: memref<2048x16xbf16, #tpu.memory_space<vmem>>, %arg8: memref<1600x32xf32, #tpu.memory_space<vmem>>) attributes {dimension_semantics = [#tpu.dimension_semantics<arbitrary>], iteration_bounds = array<i64: 100>, scalar_prefetch = 0 : i64, scratch_operands = 0 : i64, tpu.core_type = #tpu.core_type<tc>, window_params = [{transform_indices = @transform_0, window_bounds = array<i64: 1600, 16>}, {transform_indices = @transform_1, window_bounds = array<i64: 1600, 128>}, {pipeline_mode = #tpu.pipeline_mode<synchronous>, transform_indices = @transform_2, window_bounds = array<i64: 16, 128>}, {pipeline_mode = #tpu.pipeline_mode<synchronous>, transform_indices = @transform_3, window_bounds = array<i64: 1, 128>}, {pipeline_mode = #tpu.pipeline_mode<synchronous>, transform_indices = @transform_4, window_bounds = array<i64: 128, 2048>}, {pipeline_mode = #tpu.pipeline_mode<synchronous>, transform_indices = @transform_5, window_bounds = array<i64: 128, 16>}, {pipeline_mode = #tpu.pipeline_mode<synchronous>, transform_indices = @transform_6, window_bounds = array<i64: 2048, 16>}, {transform_indices = @transform_7, window_bounds = array<i64: 1600, 32>}]} {
    %get3A = arith.constant 0 : index
    %get3A_0 = arith.constant 0 : index
    %get3A_1 = vector.load %arg1[%get3A, %get3A_0] : memref<1600x16xf32, #tpu.memory_space<vmem>>, vector<1600x16xf32>
    %get3A_2 = arith.constant 0 : index
    %get3A_3 = arith.constant 0 : index
    %get3A_4 = vector.load %arg3[%get3A_2, %get3A_3] : memref<16x128xf32, #tpu.memory_space<vmem>>, vector<16x128xf32>
    %dot_general3A = arith.constant dense<0.000000e+00> : vector<1600x128xf32>
    %dot_general3A_5 = tpu.matmul %get3A_1, %get3A_4, %dot_general3A {dimension_numbers = #tpu.dot_dimension_numbers<[1], [0], [0], [1], [0, 0, 1, 1], [], []>, transpose_lhs_hint = false} : vector<1600x16xf32>, vector<16x128xf32>, vector<1600x128xf32> -> vector<1600x128xf32>
    %get3A_6 = arith.constant 0 : index
    %get3A_7 = arith.constant 0 : index
    %get3A_8 = vector.load %arg4[%get3A_6, %get3A_7] : memref<1x128xf32, #tpu.memory_space<vmem>>, vector<1x128xf32>
    %add3A = vector.broadcast %get3A_8 : vector<1x128xf32> to vector<1600x128xf32>
    %add3A_9 = arith.addf %dot_general3A_5, %add3A : vector<1600x128xf32>
    %max3A = arith.constant 0.000000e+00 : f32
    %max3A_10 = vector.broadcast %max3A : f32 to vector<1600x128xf32>
    %max3A_11 = arith.maximumf %add3A_9, %max3A_10 : vector<1600x128xf32>
    %convert_element_type3A = arith.truncf %max3A_11 : vector<1600x128xf32> to vector<1600x128xbf16>
    %get3A_12 = arith.constant 0 : index
    %get3A_13 = arith.constant 0 : index
    %get3A_14 = vector.load %arg5[%get3A_12, %get3A_13] : memref<128x2048xbf16, #tpu.memory_space<vmem>>, vector<128x2048xbf16>
    %dot_general3A_15 = arith.constant dense<0.000000e+00> : vector<1600x2048xf32>
    %dot_general3A_16 = tpu.matmul %convert_element_type3A, %get3A_14, %dot_general3A_15 {dimension_numbers = #tpu.dot_dimension_numbers<[1], [0], [0], [1], [0, 0, 1, 1], [], []>, transpose_lhs_hint = false} : vector<1600x128xbf16>, vector<128x2048xbf16>, vector<1600x2048xf32> -> vector<1600x2048xf32>
    %convert_element_type3A_17 = arith.truncf %dot_general3A_16 : vector<1600x2048xf32> to vector<1600x2048xbf16>
    %get3A_18 = arith.constant 0 : index
    %get3A_19 = arith.constant 0 : index
    %get3A_20 = vector.load %arg2[%get3A_18, %get3A_19] : memref<1600x128xbf16, #tpu.memory_space<vmem>>, vector<1600x128xbf16>
    %concatenate3A = tpu.concatenate %get3A_20, %get3A_20, %get3A_20, %get3A_20, %get3A_20, %get3A_20, %get3A_20, %get3A_20, %get3A_20, %get3A_20, %get3A_20, %get3A_20, %get3A_20, %get3A_20, %get3A_20, %get3A_20 in 1 : vector<1600x128xbf16>, vector<1600x128xbf16>, vector<1600x128xbf16>, vector<1600x128xbf16>, vector<1600x128xbf16>, vector<1600x128xbf16>, vector<1600x128xbf16>, vector<1600x128xbf16>, vector<1600x128xbf16>, vector<1600x128xbf16>, vector<1600x128xbf16>, vector<1600x128xbf16>, vector<1600x128xbf16>, vector<1600x128xbf16>, vector<1600x128xbf16>, vector<1600x128xbf16> -> vector<1600x2048xbf16>
    %mul3A = arith.mulf %convert_element_type3A_17, %concatenate3A : vector<1600x2048xbf16>
    %get3A_21 = arith.constant 0 : index
    %get3A_22 = arith.constant 0 : index
    %get3A_23 = vector.load %arg7[%get3A_21, %get3A_22] : memref<2048x16xbf16, #tpu.memory_space<vmem>>, vector<2048x16xbf16>
    %dot_general3A_24 = arith.constant dense<0.000000e+00> : vector<1600x16xf32>
    %dot_general3A_25 = tpu.matmul %mul3A, %get3A_23, %dot_general3A_24 {dimension_numbers = #tpu.dot_dimension_numbers<[1], [0], [0], [1], [0, 0, 1, 1], [], []>, transpose_lhs_hint = false} : vector<1600x2048xbf16>, vector<2048x16xbf16>, vector<1600x16xf32> -> vector<1600x16xf32>
    %get3A_26 = arith.constant 0 : index
    %get3A_27 = arith.constant 0 : index
    %get3A_28 = vector.load %arg6[%get3A_26, %get3A_27] : memref<128x16xf32, #tpu.memory_space<vmem>>, vector<128x16xf32>
    %dot_general3A_29 = arith.constant dense<0.000000e+00> : vector<1600x16xf32>
    %dot_general3A_30 = tpu.matmul %get3A_20, %get3A_28, %dot_general3A_29 {dimension_numbers = #tpu.dot_dimension_numbers<[1], [0], [0], [1], [0, 0, 1, 1], [], []>, transpose_lhs_hint = false} : vector<1600x128xbf16>, vector<128x16xf32>, vector<1600x16xf32> -> vector<1600x16xf32>
    %add3A_31 = arith.addf %dot_general3A_25, %dot_general3A_30 : vector<1600x16xf32>
    %broadcast_in_dim3A = arith.constant 1.000000e+00 : f32
    %broadcast_in_dim3A_32 = vector.broadcast %broadcast_in_dim3A : f32 to vector<1600x1xf32>
    %broadcast_in_dim3A_33 = arith.constant 0.000000e+00 : f32
    %broadcast_in_dim3A_34 = vector.broadcast %broadcast_in_dim3A_33 : f32 to vector<1600x15xf32>
    %concatenate3A_35 = tpu.concatenate %add3A_31, %broadcast_in_dim3A_32, %broadcast_in_dim3A_34 in 1 : vector<1600x16xf32>, vector<1600x1xf32>, vector<1600x15xf32> -> vector<1600x32xf32>
    %swap3A = arith.constant 0 : index
    %swap3A_36 = arith.constant 0 : index
    %swap3A_37 = vector.load %arg8[%swap3A, %swap3A_36] : memref<1600x32xf32, #tpu.memory_space<vmem>>, vector<1600x32xf32>
    tpu.vector_store %arg8[%swap3A, %swap3A_36], %concatenate3A_35 {strides = array<i32>} : memref<1600x32xf32, #tpu.memory_space<vmem>>, vector<1600x32xf32>,
    return
  }
  func.func @transform_0(%arg0: i32) -> (i32, i32) {
    %c0_i32 = arith.constant 0 : i32
    %c0_i32_0 = arith.constant 0 : i32
    return %arg0, %c0_i32 : i32, i32
  }
  func.func @transform_1(%arg0: i32) -> (i32, i32) {
    %c0_i32 = arith.constant 0 : i32
    %c0_i32_0 = arith.constant 0 : i32
    return %arg0, %c0_i32 : i32, i32
  }
  func.func @transform_2(%arg0: i32) -> (i32, i32) {
    %c0_i32 = arith.constant 0 : i32
    %c0_i32_0 = arith.constant 0 : i32
    %c0_i32_1 = arith.constant 0 : i32
    return %c0_i32, %c0_i32_0 : i32, i32
  }
  func.func @transform_3(%arg0: i32) -> (i32, i32) {
    %c0_i32 = arith.constant 0 : i32
    %c0_i32_0 = arith.constant 0 : i32
    %c0_i32_1 = arith.constant 0 : i32
    return %c0_i32, %c0_i32_0 : i32, i32
  }
  func.func @transform_4(%arg0: i32) -> (i32, i32) {
    %c0_i32 = arith.constant 0 : i32
    %c0_i32_0 = arith.constant 0 : i32
    %c0_i32_1 = arith.constant 0 : i32
    return %c0_i32, %c0_i32_0 : i32, i32
  }
  func.func @transform_5(%arg0: i32) -> (i32, i32) {
    %c0_i32 = arith.constant 0 : i32
    %c0_i32_0 = arith.constant 0 : i32
    %c0_i32_1 = arith.constant 0 : i32
    return %c0_i32, %c0_i32_0 : i32, i32
  }
  func.func @transform_6(%arg0: i32) -> (i32, i32) {
    %c0_i32 = arith.constant 0 : i32
    %c0_i32_0 = arith.constant 0 : i32
    %c0_i32_1 = arith.constant 0 : i32
    return %c0_i32, %c0_i32_0 : i32, i32
  }
  func.func @transform_7(%arg0: i32) -> (i32, i32) {
    %c0_i32 = arith.constant 0 : i32
    %c0_i32_0 = arith.constant 0 : i32
    return %arg0, %c0_i32 : i32, i32
  }
}

module attributes {stable_mosaic.version = 14 : i64} {
  func.func @_final_kernel(%arg0: i32, %arg1: memref<2x1000x32xf32, #tpu.memory_space<vmem>>, %arg2: memref<1000x128xf32, #tpu.memory_space<vmem>>, %arg3: memref<1x1x1000xi32, #tpu.memory_space<vmem>>, %arg4: memref<128x16xf32, #tpu.memory_space<vmem>>, %arg5: memref<1x16xf32, #tpu.memory_space<vmem>>, %arg6: memref<16x16xf32, #tpu.memory_space<vmem>>, %arg7: memref<1x16xf32, #tpu.memory_space<vmem>>, %arg8: memref<16x32xf32, #tpu.memory_space<vmem>>, %arg9: memref<1x32xf32, #tpu.memory_space<vmem>>, %arg10: memref<64x32xf32, #tpu.memory_space<vmem>>, %arg11: memref<64x16xf32, #tpu.memory_space<vmem>>, %arg12: memref<64x1xf32, #tpu.memory_space<vmem>>) attributes {dimension_semantics = [#tpu.dimension_semantics<arbitrary>], iteration_bounds = array<i64: 10>, scalar_prefetch = 0 : i64, scratch_operands = 2 : i64, tpu.core_type = #tpu.core_type<tc>, window_params = [{transform_indices = @transform_0, window_bounds = array<i64: 2, 1000, 32>}, {transform_indices = @transform_1, window_bounds = array<i64: 1000, 128>}, {transform_indices = @transform_2, window_bounds = array<i64: 1, 1, 1000>}, {pipeline_mode = #tpu.pipeline_mode<synchronous>, transform_indices = @transform_3, window_bounds = array<i64: 128, 16>}, {pipeline_mode = #tpu.pipeline_mode<synchronous>, transform_indices = @transform_4, window_bounds = array<i64: 1, 16>}, {pipeline_mode = #tpu.pipeline_mode<synchronous>, transform_indices = @transform_5, window_bounds = array<i64: 16, 16>}, {pipeline_mode = #tpu.pipeline_mode<synchronous>, transform_indices = @transform_6, window_bounds = array<i64: 1, 16>}, {pipeline_mode = #tpu.pipeline_mode<synchronous>, transform_indices = @transform_7, window_bounds = array<i64: 16, 32>}, {pipeline_mode = #tpu.pipeline_mode<synchronous>, transform_indices = @transform_8, window_bounds = array<i64: 1, 32>}, {pipeline_mode = #tpu.pipeline_mode<synchronous>, transform_indices = @transform_9, window_bounds = array<i64: 64, 32>}]} {
    %get3A = arith.constant 0 : index
    %get3A_0 = arith.constant 0 : index
    %get3A_1 = arith.constant 0 : index
    %get3A_2 = vector.load %arg1[%get3A, %get3A_0, %get3A_1] : memref<2x1000x32xf32, #tpu.memory_space<vmem>>, vector<2x1000x32xf32>
    %reduce_sum3A = arith.constant dense<0.000000e+00> : vector<1000x32xf32>
    %reduce_sum3A_3 = vector.multi_reduction <add>, %get3A_2, %reduce_sum3A [0] : vector<2x1000x32xf32> to vector<1000x32xf32>
    %slice3A = vector.extract_strided_slice %reduce_sum3A_3 {offsets = [0, 0], sizes = [1000, 16], strides = [1, 1]} : vector<1000x32xf32> to vector<1000x16xf32>
    %slice3A_4 = vector.extract_strided_slice %reduce_sum3A_3 {offsets = [0, 16], sizes = [1000, 1], strides = [1, 1]} : vector<1000x32xf32> to vector<1000x1xf32>
    %max3A = arith.constant 1.000000e+00 : f32
    %max3A_5 = vector.broadcast %max3A : f32 to vector<1000x1xf32>
    %max3A_6 = arith.maximumf %slice3A_4, %max3A_5 : vector<1000x1xf32>
    %div3A = vector.broadcast %max3A_6 : vector<1000x1xf32> to vector<1000x16xf32>
    %div3A_7 = arith.divf %slice3A, %div3A : vector<1000x16xf32>
    %get3A_8 = arith.constant 0 : index
    %get3A_9 = arith.constant 0 : index
    %get3A_10 = vector.load %arg2[%get3A_8, %get3A_9] : memref<1000x128xf32, #tpu.memory_space<vmem>>, vector<1000x128xf32>
    %get3A_11 = arith.constant 0 : index
    %get3A_12 = arith.constant 0 : index
    %get3A_13 = vector.load %arg4[%get3A_11, %get3A_12] : memref<128x16xf32, #tpu.memory_space<vmem>>, vector<128x16xf32>
    %dot_general3A = arith.constant dense<0.000000e+00> : vector<1000x16xf32>
    %dot_general3A_14 = tpu.matmul %get3A_10, %get3A_13, %dot_general3A {dimension_numbers = #tpu.dot_dimension_numbers<[1], [0], [0], [1], [0, 0, 1, 1], [], []>, transpose_lhs_hint = false} : vector<1000x128xf32>, vector<128x16xf32>, vector<1000x16xf32> -> vector<1000x16xf32>
    %add3A = arith.addf %div3A_7, %dot_general3A_14 : vector<1000x16xf32>
    %get3A_15 = arith.constant 0 : index
    %get3A_16 = arith.constant 0 : index
    %get3A_17 = vector.load %arg5[%get3A_15, %get3A_16] : memref<1x16xf32, #tpu.memory_space<vmem>>, vector<1x16xf32>
    %add3A_18 = vector.broadcast %get3A_17 : vector<1x16xf32> to vector<1000x16xf32>
    %add3A_19 = arith.addf %add3A, %add3A_18 : vector<1000x16xf32>
    %max3A_20 = arith.constant 0.000000e+00 : f32
    %max3A_21 = vector.broadcast %max3A_20 : f32 to vector<1000x16xf32>
    %max3A_22 = arith.maximumf %add3A_19, %max3A_21 : vector<1000x16xf32>
    %get3A_23 = arith.constant 0 : index
    %get3A_24 = arith.constant 0 : index
    %get3A_25 = vector.load %arg6[%get3A_23, %get3A_24] : memref<16x16xf32, #tpu.memory_space<vmem>>, vector<16x16xf32>
    %dot_general3A_26 = arith.constant dense<0.000000e+00> : vector<1000x16xf32>
    %dot_general3A_27 = tpu.matmul %max3A_22, %get3A_25, %dot_general3A_26 {dimension_numbers = #tpu.dot_dimension_numbers<[1], [0], [0], [1], [0, 0, 1, 1], [], []>, transpose_lhs_hint = false} : vector<1000x16xf32>, vector<16x16xf32>, vector<1000x16xf32> -> vector<1000x16xf32>
    %get3A_28 = arith.constant 0 : index
    %get3A_29 = arith.constant 0 : index
    %get3A_30 = vector.load %arg7[%get3A_28, %get3A_29] : memref<1x16xf32, #tpu.memory_space<vmem>>, vector<1x16xf32>
    %add3A_31 = vector.broadcast %get3A_30 : vector<1x16xf32> to vector<1000x16xf32>
    %add3A_32 = arith.addf %dot_general3A_27, %add3A_31 : vector<1000x16xf32>
    %max3A_33 = arith.constant 0.000000e+00 : f32
    %max3A_34 = vector.broadcast %max3A_33 : f32 to vector<1000x16xf32>
    %max3A_35 = arith.maximumf %add3A_32, %max3A_34 : vector<1000x16xf32>
    %get3A_36 = arith.constant 0 : index
    %get3A_37 = arith.constant 0 : index
    %get3A_38 = arith.constant 0 : index
    %get3A_39 = vector.load %arg3[%get3A_36, %get3A_37, %get3A_38] : memref<1x1x1000xi32, #tpu.memory_space<vmem>>, vector<1x1x1000xi32>
    %reshape3A = vector.shape_cast %get3A_39 : vector<1x1x1000xi32> to vector<1x1000xi32>
    %iota3A = tpu.iota {dimensions = array<i32: 0>} : vector<64x1xi32>
    %eq3A = vector.broadcast %reshape3A : vector<1x1000xi32> to vector<64x1000xi32>
    %eq3A_40 = vector.broadcast %iota3A : vector<64x1xi32> to vector<64x1000xi32>
    %eq3A_41 = arith.cmpi eq, %eq3A, %eq3A_40 : vector<64x1000xi32>
    %convert_element_type3A = arith.extui %eq3A_41 : vector<64x1000xi1> to vector<64x1000xi32>
    %convert_element_type3A_42 = arith.sitofp %convert_element_type3A : vector<64x1000xi32> to vector<64x1000xf32>
    %dot_general3A_43 = arith.constant dense<0.000000e+00> : vector<64x16xf32>
    %dot_general3A_44 = tpu.matmul %convert_element_type3A_42, %max3A_35, %dot_general3A_43 {dimension_numbers = #tpu.dot_dimension_numbers<[1], [0], [0], [1], [0, 0, 1, 1], [], []>, transpose_lhs_hint = false} : vector<64x1000xf32>, vector<1000x16xf32>, vector<64x16xf32> -> vector<64x16xf32>
    %reduce_sum3A_45 = arith.constant dense<0.000000e+00> : vector<64xf32>
    %reduce_sum3A_46 = vector.multi_reduction <add>, %convert_element_type3A_42, %reduce_sum3A_45 [1] : vector<64x1000xf32> to vector<64xf32>
    %broadcast_in_dim3A = vector.shape_cast %reduce_sum3A_46 : vector<64xf32> to vector<64x1xf32>
    %eq3A_47 = arith.constant 0 : i32
    %eq3A_48 = arith.cmpi eq, %arg0, %eq3A_47 : i32
    %convert_element_type3A_49 = arith.extui %eq3A_48 : i1 to i32
    %cond3A = arith.constant 0 : i32
    %cond3A_50 = arith.cmpi ne, %convert_element_type3A_49, %cond3A : i32
    scf.if %cond3A_50 {
      %broadcast_in_dim3A_69 = arith.constant 0.000000e+00 : f32
      %broadcast_in_dim3A_70 = vector.broadcast %broadcast_in_dim3A_69 : f32 to vector<64x16xf32>
      %swap3A_71 = arith.constant 0 : index
      %swap3A_72 = arith.constant 0 : index
      %swap3A_73 = vector.load %arg11[%swap3A_71, %swap3A_72] : memref<64x16xf32, #tpu.memory_space<vmem>>, vector<64x16xf32>
      tpu.vector_store %arg11[%swap3A_71, %swap3A_72], %broadcast_in_dim3A_70 {strides = array<i32>} : memref<64x16xf32, #tpu.memory_space<vmem>>, vector<64x16xf32>,
      %broadcast_in_dim3A_74 = arith.constant 0.000000e+00 : f32
      %broadcast_in_dim3A_75 = vector.broadcast %broadcast_in_dim3A_74 : f32 to vector<64x1xf32>
      %swap3A_76 = arith.constant 0 : index
      %swap3A_77 = arith.constant 0 : index
      %swap3A_78 = vector.load %arg12[%swap3A_76, %swap3A_77] : memref<64x1xf32, #tpu.memory_space<vmem>>, vector<64x1xf32>
      tpu.vector_store %arg12[%swap3A_76, %swap3A_77], %broadcast_in_dim3A_75 {strides = array<i32>} : memref<64x1xf32, #tpu.memory_space<vmem>>, vector<64x1xf32>,
    } else {
    }
    %get3A_51 = arith.constant 0 : index
    %get3A_52 = arith.constant 0 : index
    %get3A_53 = vector.load %arg11[%get3A_51, %get3A_52] : memref<64x16xf32, #tpu.memory_space<vmem>>, vector<64x16xf32>
    %add3A_54 = arith.addf %get3A_53, %dot_general3A_44 : vector<64x16xf32>
    %swap3A = arith.constant 0 : index
    %swap3A_55 = arith.constant 0 : index
    %swap3A_56 = vector.load %arg11[%swap3A, %swap3A_55] : memref<64x16xf32, #tpu.memory_space<vmem>>, vector<64x16xf32>
    tpu.vector_store %arg11[%swap3A, %swap3A_55], %add3A_54 {strides = array<i32>} : memref<64x16xf32, #tpu.memory_space<vmem>>, vector<64x16xf32>,
    %get3A_57 = arith.constant 0 : index
    %get3A_58 = arith.constant 0 : index
    %get3A_59 = vector.load %arg12[%get3A_57, %get3A_58] : memref<64x1xf32, #tpu.memory_space<vmem>>, vector<64x1xf32>
    %add3A_60 = arith.addf %get3A_59, %broadcast_in_dim3A : vector<64x1xf32>
    %swap3A_61 = arith.constant 0 : index
    %swap3A_62 = arith.constant 0 : index
    %swap3A_63 = vector.load %arg12[%swap3A_61, %swap3A_62] : memref<64x1xf32, #tpu.memory_space<vmem>>, vector<64x1xf32>
    tpu.vector_store %arg12[%swap3A_61, %swap3A_62], %add3A_60 {strides = array<i32>} : memref<64x1xf32, #tpu.memory_space<vmem>>, vector<64x1xf32>,
    %eq3A_64 = arith.constant 9 : i32
    %eq3A_65 = arith.cmpi eq, %arg0, %eq3A_64 : i32
    %convert_element_type3A_66 = arith.extui %eq3A_65 : i1 to i32
    %cond3A_67 = arith.constant 0 : i32
    %cond3A_68 = arith.cmpi ne, %convert_element_type3A_66, %cond3A_67 : i32
    scf.if %cond3A_68 {
      %get3A_69 = arith.constant 0 : index
      %get3A_70 = arith.constant 0 : index
      %get3A_71 = vector.load %arg11[%get3A_69, %get3A_70] : memref<64x16xf32, #tpu.memory_space<vmem>>, vector<64x16xf32>
      %get3A_72 = arith.constant 0 : index
      %get3A_73 = arith.constant 0 : index
      %get3A_74 = vector.load %arg12[%get3A_72, %get3A_73] : memref<64x1xf32, #tpu.memory_space<vmem>>, vector<64x1xf32>
      %max3A_75 = arith.constant 1.000000e+00 : f32
      %max3A_76 = vector.broadcast %max3A_75 : f32 to vector<64x1xf32>
      %max3A_77 = arith.maximumf %get3A_74, %max3A_76 : vector<64x1xf32>
      %div3A_78 = vector.broadcast %max3A_77 : vector<64x1xf32> to vector<64x16xf32>
      %div3A_79 = arith.divf %get3A_71, %div3A_78 : vector<64x16xf32>
      %get3A_80 = arith.constant 0 : index
      %get3A_81 = arith.constant 0 : index
      %get3A_82 = vector.load %arg8[%get3A_80, %get3A_81] : memref<16x32xf32, #tpu.memory_space<vmem>>, vector<16x32xf32>
      %dot_general3A_83 = arith.constant dense<0.000000e+00> : vector<64x32xf32>
      %dot_general3A_84 = tpu.matmul %div3A_79, %get3A_82, %dot_general3A_83 {dimension_numbers = #tpu.dot_dimension_numbers<[1], [0], [0], [1], [0, 0, 1, 1], [], []>, transpose_lhs_hint = false} : vector<64x16xf32>, vector<16x32xf32>, vector<64x32xf32> -> vector<64x32xf32>
      %get3A_85 = arith.constant 0 : index
      %get3A_86 = arith.constant 0 : index
      %get3A_87 = vector.load %arg9[%get3A_85, %get3A_86] : memref<1x32xf32, #tpu.memory_space<vmem>>, vector<1x32xf32>
      %add3A_88 = vector.broadcast %get3A_87 : vector<1x32xf32> to vector<64x32xf32>
      %add3A_89 = arith.addf %dot_general3A_84, %add3A_88 : vector<64x32xf32>
      %max3A_90 = arith.constant 0.000000e+00 : f32
      %max3A_91 = vector.broadcast %max3A_90 : f32 to vector<64x32xf32>
      %max3A_92 = arith.maximumf %add3A_89, %max3A_91 : vector<64x32xf32>
      %swap3A_93 = arith.constant 0 : index
      %swap3A_94 = arith.constant 0 : index
      %swap3A_95 = vector.load %arg10[%swap3A_93, %swap3A_94] : memref<64x32xf32, #tpu.memory_space<vmem>>, vector<64x32xf32>
      tpu.vector_store %arg10[%swap3A_93, %swap3A_94], %max3A_92 {strides = array<i32>} : memref<64x32xf32, #tpu.memory_space<vmem>>, vector<64x32xf32>,
    } else {
    }
    return
  }
  func.func @transform_0(%arg0: i32) -> (i32, i32, i32) {
    %c0_i32 = arith.constant 0 : i32
    %c0_i32_0 = arith.constant 0 : i32
    %c0_i32_1 = arith.constant 0 : i32
    return %c0_i32, %arg0, %c0_i32_0 : i32, i32, i32
  }
  func.func @transform_1(%arg0: i32) -> (i32, i32) {
    %c0_i32 = arith.constant 0 : i32
    %c0_i32_0 = arith.constant 0 : i32
    return %arg0, %c0_i32 : i32, i32
  }
  func.func @transform_2(%arg0: i32) -> (i32, i32, i32) {
    %c0_i32 = arith.constant 0 : i32
    %c0_i32_0 = arith.constant 0 : i32
    %c0_i32_1 = arith.constant 0 : i32
    return %arg0, %c0_i32, %c0_i32_0 : i32, i32, i32
  }
  func.func @transform_3(%arg0: i32) -> (i32, i32) {
    %c0_i32 = arith.constant 0 : i32
    %c0_i32_0 = arith.constant 0 : i32
    %c0_i32_1 = arith.constant 0 : i32
    return %c0_i32, %c0_i32_0 : i32, i32
  }
  func.func @transform_4(%arg0: i32) -> (i32, i32) {
    %c0_i32 = arith.constant 0 : i32
    %c0_i32_0 = arith.constant 0 : i32
    %c0_i32_1 = arith.constant 0 : i32
    return %c0_i32, %c0_i32_0 : i32, i32
  }
  func.func @transform_5(%arg0: i32) -> (i32, i32) {
    %c0_i32 = arith.constant 0 : i32
    %c0_i32_0 = arith.constant 0 : i32
    %c0_i32_1 = arith.constant 0 : i32
    return %c0_i32, %c0_i32_0 : i32, i32
  }
  func.func @transform_6(%arg0: i32) -> (i32, i32) {
    %c0_i32 = arith.constant 0 : i32
    %c0_i32_0 = arith.constant 0 : i32
    %c0_i32_1 = arith.constant 0 : i32
    return %c0_i32, %c0_i32_0 : i32, i32
  }
  func.func @transform_7(%arg0: i32) -> (i32, i32) {
    %c0_i32 = arith.constant 0 : i32
    %c0_i32_0 = arith.constant 0 : i32
    %c0_i32_1 = arith.constant 0 : i32
    return %c0_i32, %c0_i32_0 : i32, i32
  }
  func.func @transform_8(%arg0: i32) -> (i32, i32) {
    %c0_i32 = arith.constant 0 : i32
    %c0_i32_0 = arith.constant 0 : i32
    %c0_i32_1 = arith.constant 0 : i32
    return %c0_i32, %c0_i32_0 : i32, i32
  }
  func.func @transform_9(%arg0: i32) -> (i32, i32) {
    %c0_i32 = arith.constant 0 : i32
    %c0_i32_0 = arith.constant 0 : i32
    %c0_i32_1 = arith.constant 0 : i32
    return %c0_i32, %c0_i32_0 : i32, i32
  }
}

</mosaic_0001>

<sc_bundles>
// kernel: kernel.6.cloned.1.call-start
scs
__scs_entry_jumppad:
0x0: {  	(pc) =	sbr.rel $0x88, $3  }
0x1: {  	(tag) =	ssettag $0x0;
	lr =	simm.s32 $0x1  }
0x2: {  	[smem:$0x3F93] =	sst lr;
	_ =	strace $0xD0000000  }
0x3: {  	_ = 	snop  }
0x4: {  	_ = 	snop  }
0x5: {  	_ = 	snop  }
0x6: {  	_ = 	snop  }
0x7: {  	_ = 	snop  }
__scs_overlays_trampoline_lowered:
0x8: {  	[smem:$0x3FA2] =	sst s0  }
0x9: {  	[smem:$0x3FA3] =	sst s1  }
0xa: {  	[smem:$0x3FA4] =	sst s2  }
0xb: {  	[smem:$0x3FA5] =	sst s3  }
0xc: {  	[smem:$0x3FA6] =	sst s4  }
0xd: {  	[smem:$0x3FA7] =	sst s5  }
0xe: {  	[smem:$0x3FA8] =	sst s6  }
0xf: {  	[smem:$0x3FA9] =	sst s7  }
0x10: {  	[smem:$0x3FAA] =	sst s8  }
0x11: {  	[smem:$0x3FAB] =	sst s9;
	s0 =	simm.s32 @!p0 $0x0  }
0x12: {  	s1 =	sld [smem:$0x3F91];
	s0 =	simm.s32 @p0 $0x1  }
0x13: {  	[smem:$0x3FAC] =	sst s0;
	s0 =	simm.s32 @!p1 $0x0  }
0x14: {  	s2 =	sld [smem:$0x3F90];
	s0 =	simm.s32 @p1 $0x1  }
0x15: {  	[smem:$0x3FAD] =	sst s0;
	s0 =	simm.s32 @!p2 $0x0  }
0x16: {  	s3 =	sld [smem:$0x3FDB];
	s0 =	simm.s32 @p2 $0x1  }
0x17: {  	s4 =	simm.s32 $0x1BF5;
	[smem:$0x3FAF] =	sst s0  }
0x18: {  	s0 =	sld [smem:$0x3F92];
	_ =	swait.ge [sflag:s4], $0x0  }
0x19: {  	s7 =	sld [smem:$0x3F93]  }
0x1a: {  	s8 =	sadd.s32 $0xFFFFE003, lr  }
0x1b: {  	s9 =	sadd.s32 $0xFFFFFEF7, lr;
	s5 =	simm.s32 $0xFFFFFFFF;
	p2 =	slt.u32 s8, $0xFFFFF086  }
0x1c: {  	p1 =	slt.u32 s9, $0xF7A;
	s5 =	simm.s32 @!p2 $0x0  }
0x1d: {  	s5 =	simm.s32 @p1 $0x1;
	p0 =	seq.s32 s7, s2  }
0x1e: {  	s7 =	smul.u32 @!p0 $0xF7A, s2;
	p2 =	seq.s32 @!p0 s5, $0x0  }
0x1f: {  	s9 =	smul.u32 $0xF7A, s1;
	s8 =	simm.s32 @!p0 $0x1BF5;
	p2 =	por !p2, p0  }
0x20: {  	[sflag:s8] =	ssyncset.s32 @!p0 $0xFFFFF086;
	s6 =	sadd.s32 @!p0 s3, s7;
	s7 =	simm.s32 @!p0 $0x108  }
0x21: {  	s3 =	sadd.s32 s3, s9;
	s6 =	sadd.s32 @!p0 $0x88, s6;
	s7 =	simm.s32 @p2 $0x1082  }
0x22: {  	[simem:s7], [sflag:s8] =	dma.local @!p0 [hbm:s6], $0xF7A  }
0x23: {  	s9 =	sor.u32 $0xD0000000, s2;
	s6 =	simm.s32 $0x108;
	_ =	swait.ge @!p0 [sflag:s8], $0x0  }
0x24: {  	s3 =	sadd.s32 $0x88, s3;
	s6 =	simm.s32 @!p1 $0x1082;
	[sflag:s4] =	ssyncset.s32 $0xFFFFF086  }
0x25: {  	[simem:s6], [sflag:s4] =	dma.local [hbm:s3], $0xF7A  }
0x26: {  	[smem:$0x3F93] =	sst s1;
	(tag) =	ssettag s2;
	_ =	strace s9  }
0x27: {  	s1 =	sld [smem:$0x3FA3]  }
0x28: {  	s2 =	sld [smem:$0x3FA4]  }
0x29: {  	s4 =	sld [smem:$0x3FA6]  }
0x2a: {  	p0 =	seq.s32 s5, $0x0;
	s5 =	sld [smem:$0x3FA7]  }
0x2b: {  	s6 =	sld [smem:$0x3FA8]  }
0x2c: {  	s7 =	sld [smem:$0x3FA9]  }
0x2d: {  	s3 =	simm.s32 $0x108;
	s8 =	sld [smem:$0x3FAA]  }
0x2e: {  	s3 =	simm.s32 @!p0 $0x1082;
	s9 =	sld [smem:$0x3FAB]  }
0x2f: {  	lr =	sadd.s32 s0, s3;
	s0 =	sld [smem:$0x3FA2]  }
0x30: {  	s3 =	sld [smem:$0x3FA5]  }
0x31: {  	[smem:$0x3FAE] =	sst s10  }
0x32: {  	s10 =	sld [smem:$0x3FAC];
	_ =	sdelay $0x3  }
0x33: {  	p0 =	seq.s32 s10, $0x1;
	s10 =	sld [smem:$0x3FAE];
	_ =	sdelay $0x3  }
0x34: {  	[smem:$0x3FAE] =	sst s10  }
0x35: {  	s10 =	sld [smem:$0x3FAD];
	_ =	sdelay $0x3  }
0x36: {  	p1 =	seq.s32 s10, $0x1;
	s10 =	sld [smem:$0x3FAE];
	_ =	sdelay $0x3  }
0x37: {  	[smem:$0x3FAE] =	sst s10  }
0x38: {  	s10 =	sld [smem:$0x3FAF]  }
0x39: {  	_ = 	snop;
	(pc) =	sbr.ind lr, $3  }
0x3a: {  	_ = 	snop  }
0x3b: {  	_ = 	snop  }
0x3c: {  	p2 =	seq.s32 s10, $0x1;
	s10 =	sld [smem:$0x3FAE]  }
0x3d: {  	_ =	shalt  }
0x3e: {  	_ =	shalt  }
0x3f: {  	_ =	shalt  }
0x40: {  	_ =	shalt  }
0x41: {  	_ =	shalt  }
0x42: {  	_ =	shalt  }
0x43: {  	_ =	shalt  }
0x44: {  	_ =	shalt  }
0x45: {  	_ =	shalt  }
0x46: {  	_ =	shalt  }
0x47: {  	_ =	shalt  }
0x48: {  	_ =	shalt  }
0x49: {  	_ =	shalt  }
0x4a: {  	_ =	shalt  }
0x4b: {  	_ =	shalt  }
0x4c: {  	_ =	shalt  }
0x4d: {  	_ =	shalt  }
0x4e: {  	_ =	shalt  }
0x4f: {  	_ =	shalt  }
0x50: {  	_ =	shalt  }
0x51: {  	_ =	shalt  }
0x52: {  	_ =	shalt  }
0x53: {  	_ =	shalt  }
0x54: {  	_ =	shalt  }
0x55: {  	_ =	shalt  }
0x56: {  	_ =	shalt  }
0x57: {  	_ =	shalt  }
0x58: {  	_ =	shalt  }
0x59: {  	_ =	shalt  }
0x5a: {  	_ =	shalt  }
0x5b: {  	_ =	shalt  }
0x5c: {  	_ =	shalt  }
0x5d: {  	_ =	shalt  }
0x5e: {  	_ =	shalt  }
0x5f: {  	_ =	shalt  }
0x60: {  	_ =	shalt  }
0x61: {  	_ =	shalt  }
0x62: {  	_ =	shalt  }
0x63: {  	_ =	shalt  }
0x64: {  	_ =	shalt  }
0x65: {  	_ =	shalt  }
0x66: {  	_ =	shalt  }
0x67: {  	_ =	shalt  }
0x68: {  	_ =	shalt  }
0x69: {  	_ =	shalt  }
0x6a: {  	_ =	shalt  }
0x6b: {  	_ =	shalt  }
0x6c: {  	_ =	shalt  }
0x6d: {  	_ =	shalt  }
0x6e: {  	_ =	shalt  }
0x6f: {  	_ =	shalt  }
0x70: {  	_ =	shalt  }
0x71: {  	_ =	shalt  }
0x72: {  	_ =	shalt  }
0x73: {  	_ =	shalt  }
0x74: {  	_ =	shalt  }
0x75: {  	_ =	shalt  }
0x76: {  	_ =	shalt  }
0x77: {  	_ =	shalt  }
0x78: {  	_ =	shalt  }
0x79: {  	_ =	shalt  }
0x7a: {  	_ =	shalt  }
0x7b: {  	_ =	shalt  }
0x7c: {  	_ =	shalt  }
0x7d: {  	_ =	shalt  }
0x7e: {  	_ =	shalt  }
0x7f: {  	_ =	shalt  }
0x80: {  	_ =	shalt  }
0x81: {  	_ =	shalt  }
0x82: {  	_ =	shalt  }
0x83: {  	_ =	shalt  }
0x84: {  	_ =	shalt  }
0x85: {  	_ =	shalt  }
0x86: {  	_ =	shalt  }
0x87: {  	_ =	shalt  }
.Lfunc_end0:
.L_simem_size_0:
called_computation_lowered:
.L_overlay_start_0:
0x88: {  	s2 =	sld [smem:$0x3FD9]  }
0x89: {  	s3 =	sld [smem:$0x3FFE];
	_ =	sdelay $0x1  }
0x8a: {  	s1 =	srdreg.scid  }
0x8b: {  	s0 =	sand.u32 $0x1, s1  }
0x8c: {  	s16 =	sshll.u32 s0, $0xA;
	s2 =	sadd.s32 s3, s2  }
0x8d: {  	s2 =	sadd.s32 s2, s16  }
0x8e: {  	[smem:$0x3FBA] =	sst s2  }
0x8f: {  	_ = 	snop  }
0x90: {  	(tm) =	ssettm $0x1  }
0x91: {  	s17 =	sld [smem:$0x3FFB];
	_ =	sdelay $0x3  }
0x92: {  	_ =	strace s17  }
0x93: {  	s2 =	sld [smem:$0x3FFC];
	_ =	sdelay $0x3  }
0x94: {  	_ =	strace s2  }
0x95: {  	s2 =	sld [smem:$0x3FFD];
	_ =	sdelay $0x3  }
0x96: {  	_ =	strace s2  }
0x97: {  	_ =	strace $0x8FFFFFFF  }
0x98: {  	s18 =	sld [smem:$0x3FDB];
	_ =	sdelay $0x1  }
0x99: {  	s19 =	simm.s32 $_scs_section_size  }
0x9a: {  	s4 =	simm.s32 $_size__tile_overlayer_lowered;
	s5 =	simm.s32 $_tile_overlayer_lowered  }
0x9b: {  	s22 =	simm.s32 $0x1BFF;
	s21 =	sshll.u32 s5, $0x1;
	s2 =	sadd.s32 s19, s18  }
0x9c: {  	s6 =	simm.s32 $0x0;
	s20 =	sshll.u32 s4, $0x1;
	s4 =	sadd.s32 s21, s2  }
0x9d: {  	[timem:s6], [sflag:s22] =	dma.local [hbm:s4], s20  }
0x9e: {  	_ =	swait.ge [sflag:s22], s20  }
0x9f: {  	s3 =	ssub.s32 $0x0, s20;
	[sflag:s22] =	ssyncset.done $0x0  }
0xa0: {  	[sflag:s22] =	ssyncadd.s32 s3;
	_ =	sdelay $0x1  }
0xa1: {  	s23 =	simm.s32 $0x1B8B  }
0xa2: {  	_ =	swait.ge [sflag:s23], $0x1  }
0xa3: {  	[sflag:s23] =	ssyncset.done $0x0  }
0xa4: {  	s25 =	simm.s32 $0x1B8E;
	s24 =	sld [smem:$0x3FFE];
	[sflag:s23] =	ssyncadd.s32 $0xFFFFFFFF  }
0xa5: {  	s26 =	simm.s32 $execute0_lowered;
	[smem:$0x3FD2] =	sst s25  }
0xa6: {  	s4 =	sshll.u32 s26, $0x1;
	_ =	strace $0x80000046;
	[dreg:$0x1] =	wrdreg $0xFFFFFFFF  }
0xa7: {  	s28 =	simm.s32 $_size_execute0_lowered;
	s2 =	sadd.s32 s2, s4;
	[dreg:$0x0] =	wrdreg $0x0  }
0xa8: {  	s4 =	sshll.u32 s28, $0x1;
	[dreg:$0x2] =	wrdreg s2  }
0xa9: {  	[dreg:$0x3] =	wrdreg s4  }
0xaa: {  	[dreg:$0x4] =	wrdreg $0xC0  }
0xab: {  	_ =	task [dreg:s6], $0x5FFFF  }
0xac: {  	[dreg:$0x1] =	wrdreg $0xFFFFFFFF  }
0xad: {  	[dreg:$0x0] =	wrdreg $0x60  }
0xae: {  	[dreg:$0x2] =	wrdreg s24  }
0xaf: {  	[dreg:$0x3] =	wrdreg $0x9  }
0xb0: {  	_ =	task.clear_ibuf [dreg:s6], $0x4FFFF;
	_ =	strace $0x90000046  }
0xb1: {  	s29 =	simm.s32 $0x9;
	_ =	strace $0x80000048  }
0xb2: {  	_ =	swait.ge [sflag:s29], $0x1  }
0xb3: {  	[sflag:s29] =	ssyncadd.s32 $0xFFFFFFFF  }
0xb4: {  	_ =	strace $0x90000048  }
0xb5: {  	_ =	sfence  }
0xb6: {  	s30 =	sld [smem:$0x0];
	_ =	sdelay $0x2  }
0xb7: {  	s31 =	sshll.u32 s1, $0xD;
	s1 =	sshrl.u32 s1, $0x2  }
0xb8: {  	s3 =	sand.u32 $0x4000, s31;
	s1 =	sadd.s32 s1, s30  }
0xb9: {  	s0 =	sor.u32 s3, s0;
	s1 =	sshll.u32 s1, $0x11  }
0xba: {  	s0 =	sor.u32 s1, s0  }
0xbb: {  	s0 =	sadd.s32 $0x8F2B, s0  }
0xbc: {  	[sflag:s0] =	ssyncadd.remote.s32 $0x1  }
0xbd: {  	_ =	sfence.sel $0xFFFF  }
0xbe: {  	[dreg:$0x0] =	wrdreg $0xFFFFFFFF;
	(pc) =	sbr.abs _section_cstart, $3  }
0xbf: {  	[dreg:$0x1] =	wrdreg $0xFFFFFFFF  }
0xc0: {  	_ =	task.clear_ibuf [dreg:s6], $0x2FFFF;
	_ =	strace $0x9FFFFFFF  }
0xc1: {  	(tm) =	ssettm $0x7FFFFFFF  }
tec
execute0_lowered:
.L_overlay_start_1:
0x0: {  	(tag) =	ssettag $0x1  }
0x1: {  	s5 =	rddreg [dreg:$0x0]  }
0x2: {  	s0 =	rddreg [dreg:$0x1];
	s1 =	simm.s32 $0x0  }
0x3: {  	s2 =	srdreg.scid;
	s9 =	simm.s32 $0x320;
	s10 =	simm.s32 $0x1  }
0x4: {  	s11 =	simm.s32 $0x0;
	[smem:$0x7FF] =	sst s1;
	s7 =	sand.u32 $0x1, s2  }
0x5: {  	s3 =	sadd.s32 $0xCA00, s5;
	s4 =	sadd.s32 $0x2A00, s5;
	s6 =	ssub.s32 $0x2, s7  }
0x6: {  	s2 =	stileid.u32;
	s5 =	sadd.s32 $0x20400, s5;
	s8 =	sshrl.u32 s6, $0x1  }
0x7: {  	_ =	strace $0x80000047;
	s31 =	sshll.u32 s2, $0x1;
	s6 =	ssub.s32 s6, s8  }
0x8: {  	s7 =	sor.u32 s7, s31;
	s8 =	simm.s32 $0x2;
	s6 =	smax.u32 s6, $0x1  }
.LBB2_1:
0x9: {  	s13 =	sadd.s32 $0x0, s7  }
0xa: {  	p0 =	slt.s32 s13, $0xC7  }
0xb: {  	s13 =	simm.s32 @!p0 $0xC7  }
0xc: {  	s12 =	smul.u32 $0x64, s13;
	_ =	sdelay $0x1  }
0xd: {  	s12 =	sadd.s32 s4, s12  }
0xe: {  	[tilespmem:s1], [sflag:$0x2] =	stream.linear.gather [hbm4b:s12+s1], $0x320, $0x38;
	[tilespmem:$0xCB20] =	vst v63  }
0xf: {  	_ =	swait.ge [sflag:s8], $0x320  }
0x10: {  	[sflag:s8] =	ssyncset.done $0x0  }
0x11: {  	s12 =	sadd.s32 $0x20, s7;
	[sflag:s8] =	ssyncadd.s32 $0xFFFFFCE0  }
0x12: {  	[tilespmem:s9], [sflag:$0x1] =	stream.indirect.gather [hbm4b:s3+s9], $0x40, s1, s9, $0xb8;
	[tilespmem:$0xCB20] =	vst v63  }
0x13: {  	s14 =	smul.u32 $0x1900, s13;
	p0 =	slt.s32 s12, $0xC7;
	_ =	swait.ge [sflag:s10], $0xC800  }
0x14: {  	s13 =	simm.s32 $0x40;
	s12 =	simm.s32 @!p0 $0xC7;
	[sflag:s10] =	ssyncset.done $0x0  }
0x15: {  	s15 =	sadd.s32 s5, s14;
	s14 =	smul.u32 $0x64, s12;
	[sflag:s10] =	ssyncadd.s32 $0xFFFF3800  }
.LBB2_2:
0x16: {  	[hbm4b:s15+s1] =	stream.linear.scatter [tilespmem:s9], [sflag:$0x2], $0xC800, $0x38;
	[tilespmem:$0xCB20] =	vst v63  }
0x17: {  	s15 =	smov.u32 s13  }
0x18: {  	s16 =	sadd.s32 $0x20, s13;
	s14 =	sadd.s32 s4, s14;
	_ =	swait.ge [sflag:s8], $0xC800  }
0x19: {  	p0 =	sne.s32 s13, $0xC0;
	[sflag:s8] =	ssyncset.done $0x0  }
0x1a: {  	[sflag:s8] =	ssyncadd.s32 $0xFFFF3800  }
0x1b: {  	[tilespmem:s1], [sflag:$0x2] =	stream.linear.gather [hbm4b:s14+s1], $0x320, $0x38;
	[tilespmem:$0xCB20] =	vst v63  }
0x1c: {  	_ =	swait.ge [sflag:s8], $0x320  }
0x1d: {  	[sflag:s8] =	ssyncset.done $0x0  }
0x1e: {  	[sflag:s8] =	ssyncadd.s32 $0xFFFFFCE0  }
0x1f: {  	[tilespmem:s9], [sflag:$0x1] =	stream.indirect.gather [hbm4b:s3+s9], $0x40, s1, s9, $0xb8;
	[tilespmem:$0xCB20] =	vst v63  }
.Ltmp0:
0x20: {  	_ = 	snop;
	(pc) =	sbr.rel @p0 .LBB2_2-.Ltmp0, $4  }
0x21: {  	s13 =	sadd.s32 s15, s7;
	s14 =	smul.u32 $0x1900, s12;
	_ =	swait.ge [sflag:s10], $0xC800  }
0x22: {  	p1 =	slt.s32 s13, $0xC7;
	s12 =	smov.u32 s13;
	[sflag:s10] =	ssyncset.done $0x0  }
0x23: {  	s12 =	simm.s32 @!p1 $0xC7;
	s15 =	sadd.s32 s5, s14;
	[sflag:s10] =	ssyncadd.s32 $0xFFFF3800  }
0x24: {  	s13 =	smov.u32 s16;
	s14 =	smul.u32 $0x64, s12  }
0x25: {  	[hbm4b:s15+s1] =	stream.linear.scatter [tilespmem:s9], [sflag:$0x2], $0xC800, $0x38;
	[tilespmem:$0xCB20] =	vst v63  }
0x26: {  	_ =	swait.ge [sflag:s8], $0xC800  }
0x27: {  	[sflag:s8] =	ssyncset.done $0x0  }
0x28: {  	s13 =	sadd.s32 s4, s14;
	[sflag:s8] =	ssyncadd.s32 $0xFFFF3800  }
0x29: {  	[tilespmem:s1], [sflag:$0x2] =	stream.linear.gather [hbm4b:s13+s1], $0x320, $0x38;
	[tilespmem:$0xCB20] =	vst v63  }
0x2a: {  	_ =	swait.ge [sflag:s8], $0x320  }
0x2b: {  	[sflag:s8] =	ssyncset.done $0x0  }
0x2c: {  	[sflag:s8] =	ssyncadd.s32 $0xFFFFFCE0  }
0x2d: {  	[tilespmem:s9], [sflag:$0x1] =	stream.indirect.gather [hbm4b:s3+s9], $0x40, s1, s9, $0xb8;
	[tilespmem:$0xCB20] =	vst v63  }
0x2e: {  	s12 =	smul.u32 $0x1900, s12;
	s11 =	sadd.s32 $0x1, s11;
	_ =	swait.ge [sflag:s10], $0xC800  }
0x2f: {  	p0 =	sne.s32 s11, s6;
	[sflag:s10] =	ssyncset.done $0x0  }
.Ltmp1:
0x30: {  	s12 =	sadd.s32 s5, s12;
	[sflag:s10] =	ssyncadd.s32 $0xFFFF3800;
	(pc) =	sbr.rel @p0 .LBB2_1-.Ltmp1, $4  }
0x31: {  	[hbm4b:s12+s1] =	stream.linear.scatter [tilespmem:s9], [sflag:$0x2], $0xC800, $0x38;
	[tilespmem:$0xCB20] =	vst v63  }
0x32: {  	_ =	swait.ge [sflag:s8], $0xC800  }
0x33: {  	[sflag:s8] =	ssyncset.done $0x0  }
0x34: {  	[sflag:s8] =	ssyncadd.s32 $0xFFFF3800  }
0x35: {  	_ =	sfence.sel $0x180000  }
0x36: {  	[bflag:$0x0] =	sbarrier.arrive $0xFFFF  }
0x37: {  	p0 =	sne.s32 s2, $0x0;
	_ =	strace $0x90000047  }
0x38: {  	s0 =	sadd.s32 @!p0 $0x100000, s0;
	[bflag:$0x2] =	sbarrier.arrive $0xFFFF  }
0x39: {  	[sflag:s0] =	ssyncadd.tile.s32 @!p0 $0x1;
	_ =	shalt  }
.Lfunc_end2:
_tile_overlayer_lowered:
.L_overlay_start_2:
0x3a: {  	(tag) =	ssettag $0x2  }
0x3b: {  	s0 =	rddreg [dreg:$0x0];
	s2 =	stileid.u32  }
0x3c: {  	s1 =	rddreg [dreg:$0x1];
	p0 =	sne.s32 s2, $0x0  }
0x3d: {  	s3 =	rddreg [dreg:$0x2];
	[bflag:$0x3] =	sbarrier.arrive $0xFFFF;
	s2 =	simm.s32 @!p0 $0x1C02  }
0x3e: {  	[timem:s3], [sflag:s2] =	dma.local @!p0 [hbm:s0], s1  }
0x3f: {  	s0 =	simm.s32 @!p0 $0x2  }
0x40: {  	_ =	swait.ge @!p0 [sflag:s0], s1  }
0x41: {  	s1 =	ssub.s32 @!p0 $0x0, s1;
	[sflag:s0] =	ssyncset.done @!p0 $0x0  }
0x42: {  	[sflag:s0] =	ssyncadd.s32 @!p0 s1  }
0x43: {  	[bflag:$0x3] =	sbarrier.arrive $0xFFFF  }
0x44: {  	_ =	shalt  }

// kernel: kernel.9.cloned.1.call-start
scs
__scs_entry_jumppad:
0x0: {  	(pc) =	sbr.rel $0x88, $3  }
0x1: {  	(tag) =	ssettag $0x0;
	lr =	simm.s32 $0x1  }
0x2: {  	[smem:$0x3F93] =	sst lr;
	_ =	strace $0xD0000000  }
0x3: {  	_ = 	snop  }
0x4: {  	_ = 	snop  }
0x5: {  	_ = 	snop  }
0x6: {  	_ = 	snop  }
0x7: {  	_ = 	snop  }
__scs_overlays_trampoline_lowered:
0x8: {  	[smem:$0x3FA2] =	sst s0  }
0x9: {  	[smem:$0x3FA3] =	sst s1  }
0xa: {  	[smem:$0x3FA4] =	sst s2  }
0xb: {  	[smem:$0x3FA5] =	sst s3  }
0xc: {  	[smem:$0x3FA6] =	sst s4  }
0xd: {  	[smem:$0x3FA7] =	sst s5  }
0xe: {  	[smem:$0x3FA8] =	sst s6  }
0xf: {  	[smem:$0x3FA9] =	sst s7  }
0x10: {  	[smem:$0x3FAA] =	sst s8  }
0x11: {  	[smem:$0x3FAB] =	sst s9;
	s0 =	simm.s32 @!p0 $0x0  }
0x12: {  	s1 =	sld [smem:$0x3F91];
	s0 =	simm.s32 @p0 $0x1  }
0x13: {  	[smem:$0x3FAC] =	sst s0;
	s0 =	simm.s32 @!p1 $0x0  }
0x14: {  	s2 =	sld [smem:$0x3F90];
	s0 =	simm.s32 @p1 $0x1  }
0x15: {  	[smem:$0x3FAD] =	sst s0;
	s0 =	simm.s32 @!p2 $0x0  }
0x16: {  	s3 =	sld [smem:$0x3FDB];
	s0 =	simm.s32 @p2 $0x1  }
0x17: {  	s4 =	simm.s32 $0x1BF5;
	[smem:$0x3FAF] =	sst s0  }
0x18: {  	s0 =	sld [smem:$0x3F92];
	_ =	swait.ge [sflag:s4], $0x0  }
0x19: {  	s7 =	sld [smem:$0x3F93]  }
0x1a: {  	s8 =	sadd.s32 $0xFFFFE003, lr  }
0x1b: {  	s9 =	sadd.s32 $0xFFFFFEF7, lr;
	s5 =	simm.s32 $0xFFFFFFFF;
	p2 =	slt.u32 s8, $0xFFFFF086  }
0x1c: {  	p1 =	slt.u32 s9, $0xF7A;
	s5 =	simm.s32 @!p2 $0x0  }
0x1d: {  	s5 =	simm.s32 @p1 $0x1;
	p0 =	seq.s32 s7, s2  }
0x1e: {  	s7 =	smul.u32 @!p0 $0xF7A, s2;
	p2 =	seq.s32 @!p0 s5, $0x0  }
0x1f: {  	s9 =	smul.u32 $0xF7A, s1;
	s8 =	simm.s32 @!p0 $0x1BF5;
	p2 =	por !p2, p0  }
0x20: {  	[sflag:s8] =	ssyncset.s32 @!p0 $0xFFFFF086;
	s6 =	sadd.s32 @!p0 s3, s7;
	s7 =	simm.s32 @!p0 $0x108  }
0x21: {  	s3 =	sadd.s32 s3, s9;
	s6 =	sadd.s32 @!p0 $0x88, s6;
	s7 =	simm.s32 @p2 $0x1082  }
0x22: {  	[simem:s7], [sflag:s8] =	dma.local @!p0 [hbm:s6], $0xF7A  }
0x23: {  	s9 =	sor.u32 $0xD0000000, s2;
	s6 =	simm.s32 $0x108;
	_ =	swait.ge @!p0 [sflag:s8], $0x0  }
0x24: {  	s3 =	sadd.s32 $0x88, s3;
	s6 =	simm.s32 @!p1 $0x1082;
	[sflag:s4] =	ssyncset.s32 $0xFFFFF086  }
0x25: {  	[simem:s6], [sflag:s4] =	dma.local [hbm:s3], $0xF7A  }
0x26: {  	[smem:$0x3F93] =	sst s1;
	(tag) =	ssettag s2;
	_ =	strace s9  }
0x27: {  	s1 =	sld [smem:$0x3FA3]  }
0x28: {  	s2 =	sld [smem:$0x3FA4]  }
0x29: {  	s4 =	sld [smem:$0x3FA6]  }
0x2a: {  	p0 =	seq.s32 s5, $0x0;
	s5 =	sld [smem:$0x3FA7]  }
0x2b: {  	s6 =	sld [smem:$0x3FA8]  }
0x2c: {  	s7 =	sld [smem:$0x3FA9]  }
0x2d: {  	s3 =	simm.s32 $0x108;
	s8 =	sld [smem:$0x3FAA]  }
0x2e: {  	s3 =	simm.s32 @!p0 $0x1082;
	s9 =	sld [smem:$0x3FAB]  }
0x2f: {  	lr =	sadd.s32 s0, s3;
	s0 =	sld [smem:$0x3FA2]  }
0x30: {  	s3 =	sld [smem:$0x3FA5]  }
0x31: {  	[smem:$0x3FAE] =	sst s10  }
0x32: {  	s10 =	sld [smem:$0x3FAC];
	_ =	sdelay $0x3  }
0x33: {  	p0 =	seq.s32 s10, $0x1;
	s10 =	sld [smem:$0x3FAE];
	_ =	sdelay $0x3  }
0x34: {  	[smem:$0x3FAE] =	sst s10  }
0x35: {  	s10 =	sld [smem:$0x3FAD];
	_ =	sdelay $0x3  }
0x36: {  	p1 =	seq.s32 s10, $0x1;
	s10 =	sld [smem:$0x3FAE];
	_ =	sdelay $0x3  }
0x37: {  	[smem:$0x3FAE] =	sst s10  }
0x38: {  	s10 =	sld [smem:$0x3FAF]  }
0x39: {  	_ = 	snop;
	(pc) =	sbr.ind lr, $3  }
0x3a: {  	_ = 	snop  }
0x3b: {  	_ = 	snop  }
0x3c: {  	p2 =	seq.s32 s10, $0x1;
	s10 =	sld [smem:$0x3FAE]  }
0x3d: {  	_ =	shalt  }
0x3e: {  	_ =	shalt  }
0x3f: {  	_ =	shalt  }
0x40: {  	_ =	shalt  }
0x41: {  	_ =	shalt  }
0x42: {  	_ =	shalt  }
0x43: {  	_ =	shalt  }
0x44: {  	_ =	shalt  }
0x45: {  	_ =	shalt  }
0x46: {  	_ =	shalt  }
0x47: {  	_ =	shalt  }
0x48: {  	_ =	shalt  }
0x49: {  	_ =	shalt  }
0x4a: {  	_ =	shalt  }
0x4b: {  	_ =	shalt  }
0x4c: {  	_ =	shalt  }
0x4d: {  	_ =	shalt  }
0x4e: {  	_ =	shalt  }
0x4f: {  	_ =	shalt  }
0x50: {  	_ =	shalt  }
0x51: {  	_ =	shalt  }
0x52: {  	_ =	shalt  }
0x53: {  	_ =	shalt  }
0x54: {  	_ =	shalt  }
0x55: {  	_ =	shalt  }
0x56: {  	_ =	shalt  }
0x57: {  	_ =	shalt  }
0x58: {  	_ =	shalt  }
0x59: {  	_ =	shalt  }
0x5a: {  	_ =	shalt  }
0x5b: {  	_ =	shalt  }
0x5c: {  	_ =	shalt  }
0x5d: {  	_ =	shalt  }
0x5e: {  	_ =	shalt  }
0x5f: {  	_ =	shalt  }
0x60: {  	_ =	shalt  }
0x61: {  	_ =	shalt  }
0x62: {  	_ =	shalt  }
0x63: {  	_ =	shalt  }
0x64: {  	_ =	shalt  }
0x65: {  	_ =	shalt  }
0x66: {  	_ =	shalt  }
0x67: {  	_ =	shalt  }
0x68: {  	_ =	shalt  }
0x69: {  	_ =	shalt  }
0x6a: {  	_ =	shalt  }
0x6b: {  	_ =	shalt  }
0x6c: {  	_ =	shalt  }
0x6d: {  	_ =	shalt  }
0x6e: {  	_ =	shalt  }
0x6f: {  	_ =	shalt  }
0x70: {  	_ =	shalt  }
0x71: {  	_ =	shalt  }
0x72: {  	_ =	shalt  }
0x73: {  	_ =	shalt  }
0x74: {  	_ =	shalt  }
0x75: {  	_ =	shalt  }
0x76: {  	_ =	shalt  }
0x77: {  	_ =	shalt  }
0x78: {  	_ =	shalt  }
0x79: {  	_ =	shalt  }
0x7a: {  	_ =	shalt  }
0x7b: {  	_ =	shalt  }
0x7c: {  	_ =	shalt  }
0x7d: {  	_ =	shalt  }
0x7e: {  	_ =	shalt  }
0x7f: {  	_ =	shalt  }
0x80: {  	_ =	shalt  }
0x81: {  	_ =	shalt  }
0x82: {  	_ =	shalt  }
0x83: {  	_ =	shalt  }
0x84: {  	_ =	shalt  }
0x85: {  	_ =	shalt  }
0x86: {  	_ =	shalt  }
0x87: {  	_ =	shalt  }
.Lfunc_end0:
.L_simem_size_0:
called_computation.1_lowered:
.L_overlay_start_0:
0x88: {  	s2 =	sld [smem:$0x3FD9]  }
0x89: {  	s3 =	sld [smem:$0x3FFE];
	_ =	sdelay $0x1  }
0x8a: {  	s1 =	srdreg.scid  }
0x8b: {  	s0 =	sand.u32 $0x1, s1  }
0x8c: {  	s16 =	sshll.u32 s0, $0xA;
	s2 =	sadd.s32 s3, s2  }
0x8d: {  	s2 =	sadd.s32 s2, s16  }
0x8e: {  	[smem:$0x3FBA] =	sst s2  }
0x8f: {  	_ = 	snop  }
0x90: {  	(tm) =	ssettm $0x1  }
0x91: {  	s17 =	sld [smem:$0x3FFB];
	_ =	sdelay $0x3  }
0x92: {  	_ =	strace s17  }
0x93: {  	s2 =	sld [smem:$0x3FFC];
	_ =	sdelay $0x3  }
0x94: {  	_ =	strace s2  }
0x95: {  	s2 =	sld [smem:$0x3FFD];
	_ =	sdelay $0x3  }
0x96: {  	_ =	strace s2  }
0x97: {  	_ =	strace $0x8FFFFFFF  }
0x98: {  	s18 =	sld [smem:$0x3FDB];
	_ =	sdelay $0x1  }
0x99: {  	s19 =	simm.s32 $_scs_section_size  }
0x9a: {  	s4 =	simm.s32 $_size__tile_overlayer_lowered;
	s5 =	simm.s32 $_tile_overlayer_lowered  }
0x9b: {  	s22 =	simm.s32 $0x1BFF;
	s21 =	sshll.u32 s5, $0x1;
	s2 =	sadd.s32 s19, s18  }
0x9c: {  	s6 =	simm.s32 $0x0;
	s20 =	sshll.u32 s4, $0x1;
	s4 =	sadd.s32 s21, s2  }
0x9d: {  	[timem:s6], [sflag:s22] =	dma.local [hbm:s4], s20  }
0x9e: {  	_ =	swait.ge [sflag:s22], s20  }
0x9f: {  	s3 =	ssub.s32 $0x0, s20;
	[sflag:s22] =	ssyncset.done $0x0  }
0xa0: {  	[sflag:s22] =	ssyncadd.s32 s3;
	_ =	sdelay $0x1  }
0xa1: {  	s23 =	simm.s32 $0x1B8B  }
0xa2: {  	_ =	swait.ge [sflag:s23], $0x1  }
0xa3: {  	[sflag:s23] =	ssyncset.done $0x0  }
0xa4: {  	s25 =	simm.s32 $0x1B8E;
	s24 =	sld [smem:$0x3FFE];
	[sflag:s23] =	ssyncadd.s32 $0xFFFFFFFF  }
0xa5: {  	s26 =	simm.s32 $execute0_lowered;
	[smem:$0x3FD2] =	sst s25  }
0xa6: {  	s4 =	sshll.u32 s26, $0x1;
	_ =	strace $0x80000049;
	[dreg:$0x1] =	wrdreg $0xFFFFFFFF  }
0xa7: {  	s28 =	simm.s32 $_size_execute0_lowered;
	s2 =	sadd.s32 s2, s4;
	[dreg:$0x0] =	wrdreg $0x0  }
0xa8: {  	s4 =	sshll.u32 s28, $0x1;
	[dreg:$0x2] =	wrdreg s2  }
0xa9: {  	[dreg:$0x3] =	wrdreg s4  }
0xaa: {  	[dreg:$0x4] =	wrdreg $0xC0  }
0xab: {  	_ =	task [dreg:s6], $0x5FFFF  }
0xac: {  	[dreg:$0x1] =	wrdreg $0xFFFFFFFF  }
0xad: {  	[dreg:$0x0] =	wrdreg $0x60  }
0xae: {  	[dreg:$0x2] =	wrdreg s24  }
0xaf: {  	[dreg:$0x3] =	wrdreg $0x67200  }
0xb0: {  	[dreg:$0x4] =	wrdreg $0x9  }
0xb1: {  	_ =	task.clear_ibuf [dreg:s6], $0x5FFFF;
	_ =	strace $0x90000049  }
0xb2: {  	s29 =	simm.s32 $0x9;
	_ =	strace $0x8000004B  }
0xb3: {  	_ =	swait.ge [sflag:s29], $0x1  }
0xb4: {  	[sflag:s29] =	ssyncadd.s32 $0xFFFFFFFF  }
0xb5: {  	_ =	strace $0x9000004B  }
0xb6: {  	_ =	sfence  }
0xb7: {  	s30 =	sld [smem:$0x0];
	_ =	sdelay $0x2  }
0xb8: {  	s31 =	sshll.u32 s1, $0xD;
	s1 =	sshrl.u32 s1, $0x2  }
0xb9: {  	s3 =	sand.u32 $0x4000, s31;
	s1 =	sadd.s32 s1, s30  }
0xba: {  	s0 =	sor.u32 s3, s0;
	s1 =	sshll.u32 s1, $0x11  }
0xbb: {  	s0 =	sor.u32 s1, s0  }
0xbc: {  	s0 =	sadd.s32 $0x8F2B, s0  }
0xbd: {  	[sflag:s0] =	ssyncadd.remote.s32 $0x1  }
0xbe: {  	_ =	sfence.sel $0xFFFF  }
0xbf: {  	[dreg:$0x0] =	wrdreg $0xFFFFFFFF;
	(pc) =	sbr.abs _section_cstart, $3  }
0xc0: {  	[dreg:$0x1] =	wrdreg $0xFFFFFFFF  }
0xc1: {  	_ =	task.clear_ibuf [dreg:s6], $0x2FFFF;
	_ =	strace $0x9FFFFFFF  }
0xc2: {  	(tm) =	ssettm $0x7FFFFFFF  }
0xc3: {  	_ =	shalt  }
tec
execute0_lowered:
.L_overlay_start_1:
0x0: {  	(tag) =	ssettag $0x1  }
0x1: {  	s5 =	rddreg [dreg:$0x0];
	s0 =	stileid.u32  }
0x2: {  	s1 =	srdreg.scid;
	s4 =	smul.u32 $0xC8, s0  }
0x3: {  	s2 =	rddreg [dreg:$0x1];
	s3 =	simm.s32 $0x0;
	s7 =	smul.u32 $0x5000, s0  }
0x4: {  	s6 =	sand.u32 $0x1, s1;
	s1 =	rddreg [dreg:$0x2];
	s9 =	smul.u32 $0x1900, s0  }
0x5: {  	[smem:$0x7FF] =	sst s3;
	s8 =	smul.u32 $0x50000, s6  }
0x6: {  	s30 =	sshll.u32 s0, $0x6;
	_ =	strace $0x8000004A;
	s12 =	smul.u32 $0xC80, s6  }
0x7: {  	s11 =	ssub.s32 $0x2, s6;
	s14 =	smul.u32 $0x64, s6;
	s6 =	sor.u32 $0x1C01, s30  }
0x8: {  	s10 =	sadd.s32 s4, s5;
	s26 =	sadd.s32 s9, s5;
	s4 =	sadd.s32 $0x2A00, s5  }
0x9: {  	s29 =	sshrl.u32 s11, $0x1;
	s13 =	sadd.s32 s7, s2;
	s25 =	sadd.s32 s7, s8  }
0xa: {  	s11 =	ssub.s32 s11, s29;
	s31 =	sadd.s32 s12, s26;
	s10 =	sadd.s32 s14, s10  }
0xb: {  	s12 =	simm.s32 $0x1;
	s28 =	sshrl.u32 s25, $0x3;
	s8 =	smax.u32 s11, $0x1  }
0xc: {  	s10 =	sadd.s32 $0x7A00, s10;
	s11 =	sshrl.u32 s13, $0x3;
	s9 =	sadd.s32 s28, s5  }
0xd: {  	s5 =	sshll.u32 s0, $0x1;
	s7 =	sadd.s32 $0xA8E00, s9;
	s9 =	sadd.s32 $0xCA00, s31  }
.LBB2_1:
0xe: {  	[spmem:s11], [sflag:s6] =	dma.local [hbm:s4], $0xA00  }
0xf: {  	_ =	swait.ge [sflag:s12], $0xA00  }
0x10: {  	s13 =	sadd.s32 $0x0, s5;
	[sflag:s12] =	ssyncset.done $0x0  }
0x11: {  	p0 =	sgt.u32 s13, $0xC7;
	[sflag:s12] =	ssyncadd.s32 $0xFFFFF600  }
0x12: {  	s13 =	simm.s32 @!p0 $0x0;
	s15 =	simm.s32 @!p0 $0x2;
	[bflag:$0x0] =	sbarrier.arrive $0xFFFF  }
0x13: {  	[tilespmem:s13], [sflag:$0x2] =	stream.linear.gather @!p0 [hbm4b:s10+s13], $0x320, $0x38;
	[tilespmem:$0xB720] =	vst v63  }
0x14: {  	_ =	swait.ge @!p0 [sflag:s15], $0x320  }
0x15: {  	[sflag:s15] =	ssyncset.done @!p0 $0x0;
	p0 =	por p0, p0  }
0x16: {  	[sflag:s15] =	ssyncadd.s32 @!p0 $0xFFFFFCE0;
	s17 =	simm.s32 @!p0 $0x320  }
0x17: {  	[tilespmem:s17], [sflag:$0x2] =	stream.linear.gather @!p0 [hbm4b:s9+s13], $0x6400, $0x38;
	[tilespmem:$0xB720] =	vst v63  }
0x18: {  	_ =	swait.ge @!p0 [sflag:s15], $0x6400  }
0x19: {  	[sflag:s15] =	ssyncset.done @!p0 $0x0  }
0x1a: {  	s31 =	sadd.s32 $0x20, s5;
	s16 =	simm.s32 @!p0 $0x1;
	[sflag:s15] =	ssyncadd.s32 @!p0 $0xFFFF9C00  }
0x1b: {  	[spmem:s2] =	stream.indirect.scatter.add.f32 @!p0 [tilespmem:s17], [sflag:$0x1], $0x20, s13, s17, $0xb8;
	[tilespmem:$0xB720] =	vst v63  }
0x1c: {  	s14 =	simm.s32 $0x40;
	p1 =	sgt.u32 s31, $0xC7;
	_ =	swait.ge @!p0 [sflag:s16], $0x6400  }
0x1d: {  	s15 =	sadd.s32 $0xC80, s10;
	s13 =	sadd.s32 $0x19000, s9;
	[sflag:s16] =	ssyncset.done @!p0 $0x0  }
.LBB2_2:
0x1e: {  	s17 =	simm.s32 @!p1 $0x0;
	s18 =	simm.s32 @!p1 $0x2;
	[sflag:s16] =	ssyncadd.s32 @!p0 $0xFFFF9C00  }
0x1f: {  	[tilespmem:s17], [sflag:$0x2] =	stream.linear.gather @!p1 [hbm4b:s15+s17], $0x320, $0x38;
	[tilespmem:$0xB720] =	vst v63  }
0x20: {  	s19 =	smov.u32 s14;
	s14 =	sadd.s32 $0x20, s14;
	_ =	swait.ge @!p1 [sflag:s18], $0x320  }
0x21: {  	p0 =	por p1, p1;
	p2 =	sne.s32 s14, $0xE0;
	[sflag:s18] =	ssyncset.done @!p1 $0x0  }
0x22: {  	s20 =	simm.s32 @!p0 $0x320;
	[sflag:s18] =	ssyncadd.s32 @!p0 $0xFFFFFCE0  }
0x23: {  	[tilespmem:s20], [sflag:$0x2] =	stream.linear.gather @!p0 [hbm4b:s13+s17], $0x6400, $0x38;
	[tilespmem:$0xB720] =	vst v63  }
0x24: {  	_ =	swait.ge @!p0 [sflag:s18], $0x6400  }
.Ltmp0:
0x25: {  	[sflag:s18] =	ssyncset.done @!p0 $0x0;
	(pc) =	sbr.rel @p2 .LBB2_2-.Ltmp0, $4  }
0x26: {  	s16 =	simm.s32 @!p0 $0x1;
	[sflag:s18] =	ssyncadd.s32 @!p0 $0xFFFF9C00  }
0x27: {  	[spmem:s2] =	stream.indirect.scatter.add.f32 @!p0 [tilespmem:s20], [sflag:$0x1], $0x20, s17, s20, $0xb8;
	[tilespmem:$0xB720] =	vst v63  }
0x28: {  	s15 =	sadd.s32 $0xC80, s15;
	s17 =	sadd.s32 s19, s5;
	_ =	swait.ge @!p0 [sflag:s16], $0x6400  }
0x29: {  	s13 =	sadd.s32 $0x19000, s13;
	p1 =	sgt.u32 s17, $0xC7;
	[sflag:s16] =	ssyncset.done @!p0 $0x0  }
0x2a: {  	s14 =	simm.s32 @!p1 $0x0;
	s17 =	simm.s32 @!p1 $0x2;
	[sflag:s16] =	ssyncadd.s32 @!p0 $0xFFFF9C00  }
0x2b: {  	[tilespmem:s14], [sflag:$0x2] =	stream.linear.gather @!p1 [hbm4b:s15+s14], $0x320, $0x38;
	[tilespmem:$0xB720] =	vst v63  }
0x2c: {  	_ =	swait.ge @!p1 [sflag:s17], $0x320  }
0x2d: {  	p0 =	por p1, p1;
	[sflag:s17] =	ssyncset.done @!p1 $0x0  }
0x2e: {  	s15 =	simm.s32 @!p0 $0x320;
	[sflag:s17] =	ssyncadd.s32 @!p0 $0xFFFFFCE0  }
0x2f: {  	[tilespmem:s15], [sflag:$0x2] =	stream.linear.gather @!p0 [hbm4b:s13+s14], $0x6400, $0x38;
	[tilespmem:$0xB720] =	vst v63  }
0x30: {  	_ =	swait.ge @!p0 [sflag:s17], $0x6400  }
0x31: {  	[sflag:s17] =	ssyncset.done @!p0 $0x0  }
0x32: {  	s13 =	simm.s32 @!p0 $0x1;
	[sflag:s17] =	ssyncadd.s32 @!p0 $0xFFFF9C00  }
0x33: {  	[spmem:s2] =	stream.indirect.scatter.add.f32 @!p0 [tilespmem:s15], [sflag:$0x1], $0x20, s14, s15, $0xb8;
	[tilespmem:$0xB720] =	vst v63  }
0x34: {  	_ =	swait.ge @!p0 [sflag:s13], $0x6400  }
0x35: {  	s3 =	sadd.s32 $0x1, s3;
	[sflag:s13] =	ssyncset.done @!p0 $0x0  }
0x36: {  	[sflag:s13] =	ssyncadd.s32 @!p0 $0xFFFF9C00;
	p0 =	sne.s32 s3, s8  }
.Ltmp1:
0x37: {  	[bflag:$0x0] =	sbarrier.arrive $0xFFFF;
	(pc) =	sbr.rel @p0 .LBB2_1-.Ltmp1, $4  }
0x38: {  	[hbm:s7], [sflag:s6] =	dma.local [spmem:s11], $0xA00  }
0x39: {  	_ =	swait.ge [sflag:s12], $0xA00  }
0x3a: {  	[sflag:s12] =	ssyncset.done $0x0  }
0x3b: {  	[sflag:s12] =	ssyncadd.s32 $0xFFFFF600  }
0x3c: {  	_ =	sfence.sel $0x180000  }
0x3d: {  	[bflag:$0x0] =	sbarrier.arrive $0xFFFF  }
0x3e: {  	p0 =	sne.s32 s0, $0x0;
	_ =	strace $0x9000004A  }
0x3f: {  	s0 =	sadd.s32 @!p0 $0x100000, s1;
	[bflag:$0x2] =	sbarrier.arrive $0xFFFF  }
0x40: {  	[sflag:s0] =	ssyncadd.tile.s32 @!p0 $0x1;
	_ =	shalt  }
.Lfunc_end2:
_tile_overlayer_lowered:
.L_overlay_start_2:
0x41: {  	(tag) =	ssettag $0x2  }
0x42: {  	s0 =	rddreg [dreg:$0x0];
	s2 =	stileid.u32  }
0x43: {  	s1 =	rddreg [dreg:$0x1];
	p0 =	sne.s32 s2, $0x0  }
0x44: {  	s3 =	rddreg [dreg:$0x2];
	[bflag:$0x3] =	sbarrier.arrive $0xFFFF;
	s2 =	simm.s32 @!p0 $0x1C01  }
0x45: {  	[timem:s3], [sflag:s2] =	dma.local @!p0 [hbm:s0], s1  }
0x46: {  	s0 =	simm.s32 @!p0 $0x1  }
0x47: {  	_ =	swait.ge @!p0 [sflag:s0], s1  }
0x48: {  	s1 =	ssub.s32 @!p0 $0x0, s1;
	[sflag:s0] =	ssyncset.done @!p0 $0x0  }
0x49: {  	[sflag:s0] =	ssyncadd.s32 @!p0 s1  }
0x4a: {  	[bflag:$0x3] =	sbarrier.arrive $0xFFFF  }
0x4b: {  	_ =	shalt  }

</sc_bundles>
